<compile_context>
chip_gen: v7x
topology: tpu7x:2x2x1
jax: 0.10.2.dev20260603
libtpu: 0.0.44.dev20260713+nightly
codegen_flags: <defaults>
</compile_context>

<pallas_src>
import jax
import jax.numpy as jnp
from jax import lax
from jax.experimental import pallas as pl
from jax.experimental.pallas import tpu as pltpu
from jax.experimental.pallas import tpu_sc as plsc

N = 10000
NP = 10240
E = 320000
D_IN = 128
H = 64
FC_H = 32
NCLS = 32
NG = 128

NW = 32
CHUNK = 128
CPW = 79
EP = NW * CPW * CHUNK
CPW0 = 90
CPW1 = 2 * CPW - CPW0
CPWMX = max(CPW0, CPW1)
RPT = NP // 16
WB = RPT // CHUNK

_f32 = jnp.float32



def _sc_mesh():
    return plsc.VectorSubcoreMesh(core_axis_name="c", subcore_axis_name="s")


_SC_PARAMS = pltpu.CompilerParams(use_tc_tiling_on_sc=False)


def _fill(buf, rows, cols, value):
    vals = jnp.full((16,), value, _f32)
    nc = cols // 16

    def st(k, c):
        buf[k // nc, pl.ds((k % nc) * 16, 16)] = vals
        return c

    lax.fori_loop(0, rows * nc, st, 0)


def _deg_body(dstw, out, accd, dstv, buf):
    cid = lax.axis_index("c")
    sid = lax.axis_index("s")
    wid = sid * 2 + cid
    _fill(buf, CHUNK, 16, 0.0)

    def z(k, c):
        rr = sid * RPT + k * CHUNK
        pltpu.sync_copy(buf, accd.at[pl.ds(rr, CHUNK)])
        return c

    lax.fori_loop(0, WB, z, 0)
    _fill(buf, CHUNK, 16, 1.0)
    pltpu.sync_copy(dstw.at[wid], dstv)
    ncha = jnp.where(cid == 0, CPW0, CPW1)
    plsc.subcore_barrier()

    def chunk(j, c):
        pltpu.sync_copy(buf, accd.at[dstv.at[j]], add=True)
        return c

    lax.fori_loop(0, ncha, chunk, 0)
    plsc.subcore_barrier()

    def wb(k, c):
        rr = sid * RPT + k * CHUNK
        pltpu.sync_copy(accd.at[pl.ds(rr, CHUNK)],
                        out.at[pl.ds(rr, CHUNK), pl.ds(cid * 16, 16)])
        return c

    lax.fori_loop(0, WB, wb, 0)


def _deg_call(dstw):
    return pl.kernel(
        _deg_body,
        out_type=jax.ShapeDtypeStruct((NP, 32), _f32),
        mesh=_sc_mesh(),
        scratch_types=[
            pltpu.VMEM_SHARED((NP, 16), _f32),
            pltpu.VMEM((CPWMX, CHUNK), jnp.int32),
            pltpu.VMEM((CHUNK, 16), _f32),
        ],
        compiler_params=_SC_PARAMS,
    )(dstw)


def _prop_body(y_hbm, srcw, dstw, out, acc, srcv, dstv, rows, sem):
    cid = lax.axis_index("c")
    sid = lax.axis_index("s")
    wid = sid * 2 + cid
    _fill(rows, CHUNK, H, 0.0)

    def z(k, c):
        rr = sid * RPT + k * CHUNK
        pltpu.sync_copy(rows, acc.at[pl.ds(rr, CHUNK)])
        return c

    lax.fori_loop(0, WB, z, 0)
    pltpu.sync_copy(srcw.at[wid], srcv)
    pltpu.sync_copy(dstw.at[wid], dstv)
    ncha = jnp.where(cid == 0, CPW0, CPW1)
    plsc.subcore_barrier()

    def chunk(j, c):
        pltpu.async_copy(y_hbm.at[srcv.at[j]], rows, sem).wait()
        pltpu.sync_copy(rows, acc.at[dstv.at[j]], add=True)
        return c

    lax.fori_loop(0, ncha, chunk, 0)
    plsc.subcore_barrier()

    def wb(k, c):
        rr = sid * RPT + k * CHUNK
        pltpu.sync_copy(acc.at[pl.ds(rr, CHUNK)],
                        out.at[pl.ds(rr, CHUNK), pl.ds(cid * H, H)])
        return c

    lax.fori_loop(0, WB, wb, 0)


def _prop_call(y, srcw, dstw):
    return pl.kernel(
        _prop_body,
        out_type=jax.ShapeDtypeStruct((NP, 2 * H), _f32),
        mesh=_sc_mesh(),
        scratch_types=[
            pltpu.VMEM_SHARED((NP, H), _f32),
            pltpu.VMEM((CPWMX, CHUNK), jnp.int32),
            pltpu.VMEM((CPWMX, CHUNK), jnp.int32),
            pltpu.VMEM((CHUNK, H), _f32),
            pltpu.SemaphoreType.DMA,
        ],
        compiler_params=_SC_PARAMS,
    )(y, srcw, dstw)



def _tc_xw_body(x_ref, w1_ref, xw_ref):
    xw_ref[...] = jnp.dot(x_ref[...], w1_ref[...], preferred_element_type=_f32)


def _tc_xw_call(x_p, W1):
    return pl.pallas_call(
        _tc_xw_body,
        out_shape=jax.ShapeDtypeStruct((NP, H), _f32),
    )(x_p, W1)


def _tc_scale_body(xw_ref, dd_ref, y1_ref, dinv_ref):
    deg = dd_ref[:, 0:1] + dd_ref[:, 16:17] + 1.0
    dinvb = jnp.broadcast_to(lax.rsqrt(deg), (NP, H))
    y1_ref[...] = dinvb * xw_ref[...]
    dinv_ref[...] = dinvb


def _tc_scale_call(xw, dd):
    return pl.pallas_call(
        _tc_scale_body,
        out_shape=[
            jax.ShapeDtypeStruct((NP, H), _f32),
            jax.ShapeDtypeStruct((NP, H), _f32),
        ],
    )(xw, dd)


def _tc_c_body(p_ref, y1_ref, dinv_ref, b1_ref, w2_ref, y2_ref):
    dinvb = dinv_ref[...]
    h1 = jnp.maximum(
        dinvb * (p_ref[:, :H] + p_ref[:, H:] + y1_ref[...]) + b1_ref[...], 0.0)
    y2_ref[...] = dinvb * jnp.dot(h1, w2_ref[...], preferred_element_type=_f32)


def _tc_c_call(p, y1, dinvb, b1, W2):
    return pl.pallas_call(
        _tc_c_body,
        out_shape=jax.ShapeDtypeStruct((NP, H), _f32),
    )(p, y1, dinvb, b1, W2)


def _tc_d_body(q_ref, y2_ref, dinv_ref, b2_ref, batch_ref, fw1_ref, fb1_ref,
               fw2_ref, fb2_ref, out_ref):
    h2 = jnp.maximum(
        dinv_ref[...] * (q_ref[:, :H] + q_ref[:, H:] + y2_ref[...])
        + b2_ref[...], 0.0)
    iot = lax.broadcasted_iota(jnp.int32, (NP, NG), 1)
    oh = (batch_ref[...] == iot).astype(_f32)
    ps = lax.dot_general(oh, h2, (((0,), (0,)), ((), ())),
                         preferred_element_type=_f32)
    ones = jnp.ones((NP, 1), _f32)
    cnt = lax.dot_general(oh, ones, (((0,), (0,)), ((), ())),
                          preferred_element_type=_f32)
    pooled = ps / jnp.maximum(cnt, 1.0)
    t = jnp.maximum(
        jnp.dot(pooled, fw1_ref[...], preferred_element_type=_f32)
        + fb1_ref[...], 0.0)
    logits = jnp.dot(t, fw2_ref[...], preferred_element_type=_f32) + fb2_ref[...]
    m = jnp.max(logits, axis=1, keepdims=True)
    lse = jnp.log(jnp.sum(jnp.exp(logits - m), axis=1, keepdims=True)) + m
    out_ref[...] = logits - lse


def _tc_d_call(q, y2, dinvb, b2, batch_p, fW1, fb1, fW2, fb2):
    return pl.pallas_call(
        _tc_d_body,
        out_shape=jax.ShapeDtypeStruct((NG, NCLS), _f32),
    )(q, y2, dinvb, b2, batch_p, fW1, fb1, fW2, fb2)



@jax.jit
def kernel(x, edge_index, batch, W1, b1, W2, b2, fW1, fb1, fW2, fb2):
    src = edge_index[0]
    dst = edge_index[1]

    def edge_layout(e, pad_val):
        e_p = jnp.concatenate([e, jnp.full((EP - E,), pad_val, jnp.int32)])
        n0 = 16 * CPW0 * CHUNK
        c0 = e_p[:n0].reshape(16, CPW0, CHUNK)
        c0 = jnp.pad(c0, ((0, 0), (0, CPWMX - CPW0), (0, 0)))
        c1 = e_p[n0:].reshape(16, CPW1, CHUNK)
        c1 = jnp.pad(c1, ((0, 0), (0, CPWMX - CPW1), (0, 0)))
        return jnp.stack([c0, c1], axis=1).reshape(NW, CPWMX, CHUNK)

    src_p = edge_layout(src, 0)
    dst_p = edge_layout(dst, N)
    x_p = jnp.pad(x, ((0, NP - N), (0, 0)))
    batch_p = jnp.pad(batch, (0, NP - N), constant_values=NG).reshape(NP, 1)

    xw = _tc_xw_call(x_p, W1)
    dd = _deg_call(dst_p)
    y1, dinvb = _tc_scale_call(xw, dd)
    p = _prop_call(y1, src_p, dst_p)
    y2 = _tc_c_call(p, y1, dinvb, b1.reshape(1, H), W2)
    q = _prop_call(y2, src_p, dst_p)
    return _tc_d_call(q, y2, dinvb, b2.reshape(1, H), batch_p,
                      fW1, fb1.reshape(1, FC_H), fW2, fb2.reshape(1, NCLS))

# --- scband reference (transcript-rebuilt; emitter-appended) ---
"""Pipeline reference for scband-gcn-15573551416011 (READ-ONLY COPY).

The authoritative reference and input builder live on the scoring server;
editing this copy changes nothing except your own understanding.
"""

import jax, jax.numpy as jnp
import numpy as np

N_NODES = 10000
N_EDGES = 320000
D_FEAT = 128
HIDDEN = 64
FC_HIDDEN = 32
NUM_CLASSES = 32
NUM_GRAPHS = 128


def setup_inputs(seed: int = 0) -> dict:
    key = jax.random.key(seed)
    ks = jax.random.split(key, 12)
    x = jax.random.normal(ks[0], (N_NODES, D_FEAT), dtype=jnp.float32)
    edge_index = jax.random.randint(ks[1], (2, N_EDGES), 0, N_NODES, dtype=jnp.int32)
    batch = jnp.sort(jax.random.randint(ks[2], (N_NODES,), 0, NUM_GRAPHS, dtype=jnp.int32))
    W1 = jax.random.normal(ks[3], (D_FEAT, HIDDEN), dtype=jnp.float32) * (1.0 / np.sqrt(D_FEAT))
    b1 = jnp.zeros((HIDDEN,), dtype=jnp.float32)
    W2 = jax.random.normal(ks[4], (HIDDEN, HIDDEN), dtype=jnp.float32) * (1.0 / np.sqrt(HIDDEN))
    b2 = jnp.zeros((HIDDEN,), dtype=jnp.float32)
    fW1 = jax.random.normal(ks[5], (HIDDEN, FC_HIDDEN), dtype=jnp.float32) * (1.0 / np.sqrt(HIDDEN))
    fb1 = jnp.zeros((FC_HIDDEN,), dtype=jnp.float32)
    fW2 = jax.random.normal(ks[6], (FC_HIDDEN, NUM_CLASSES), dtype=jnp.float32) * (1.0 / np.sqrt(FC_HIDDEN))
    fb2 = jnp.zeros((NUM_CLASSES,), dtype=jnp.float32)
    return {"x": x, "edge_index": edge_index, "batch": batch,
            "W1": W1, "b1": b1, "W2": W2, "b2": b2,
            "fW1": fW1, "fb1": fb1, "fW2": fW2, "fb2": fb2}


def gcn_conv(x, edge_index, W, b):
    # PyG GCNConv: x' = D^{-1/2} (A + I) D^{-1/2} (x @ W) + b
    N = x.shape[0]
    loop = jnp.arange(N, dtype=edge_index.dtype)
    src = jnp.concatenate([edge_index[0], loop])
    dst = jnp.concatenate([edge_index[1], loop])
    xw = x @ W
    deg = jnp.zeros((N,), dtype=x.dtype).at[dst].add(1.0)
    dinv = jnp.where(deg > 0, 1.0 / jnp.sqrt(deg), 0.0)
    norm = dinv[src] * dinv[dst]
    msg = jnp.take(xw, src, axis=0) * norm[:, None]
    out = jnp.zeros_like(xw).at[dst].add(msg)
    return out + b


def global_mean_pool(x, batch, num_graphs):
    s = jax.ops.segment_sum(x, batch, num_segments=num_graphs)
    cnt = jax.ops.segment_sum(jnp.ones((x.shape[0],), dtype=x.dtype), batch, num_segments=num_graphs)
    return s / jnp.maximum(cnt, 1.0)[:, None]


def reference(x, edge_index, batch, W1, b1, W2, b2, fW1, fb1, fW2, fb2):
    h = jax.nn.relu(gcn_conv(x, edge_index, W1, b1))
    h = jax.nn.relu(gcn_conv(h, edge_index, W2, b2))
    pooled = global_mean_pool(h, batch, NUM_GRAPHS)
    h = jax.nn.relu(pooled @ fW1 + fb1)
    logits = h @ fW2 + fb2
    return jax.nn.log_softmax(logits, axis=1)

if __name__ == "__main__":
    import jax
    _d = setup_inputs()
    print(jax.jit(kernel)(*tuple(_d.values())))

</pallas_src>

<mosaic_0001>
#map = affine_map<(d0, d1) -> (0, 0)>
#map1 = affine_map<(d0, d1) -> (0, 0, 0)>
module attributes {stable_mosaic.version = 14 : i64} {
  func.func @_prop_body(%arg0: i32, %arg1: i32, %arg2: memref<10240x64xf32, #tpu.memory_space<hbm>>, %arg3: memref<32x90x128xi32, #tpu.memory_space<hbm>>, %arg4: memref<32x90x128xi32, #tpu.memory_space<hbm>>, %arg5: memref<10240x128xf32, #tpu.memory_space<hbm>>, %arg6: memref<10240x64xf32, #tpu.memory_space<vmem_shared>>, %arg7: memref<90x128xi32, #tpu.memory_space<vmem>>, %arg8: memref<90x128xi32, #tpu.memory_space<vmem>>, %arg9: memref<128x64xf32, #tpu.memory_space<vmem>>, %arg10: memref<!tpu.dma_semaphore, #tpu.memory_space<semaphore_mem>>) attributes {dimension_semantics = [#tpu.dimension_semantics<core_parallel>, #tpu.dimension_semantics<subcore_parallel>], iteration_bounds = array<i64: 2, 16>, scalar_prefetch = 0 : i64, scratch_operands = 5 : i64, tpu.core_type = #tpu.core_type<sc_vector_subcore>, window_params = [{transform_indices = #map}, {transform_indices = #map1}, {transform_indices = #map1}, {transform_indices = #map}]} {
    %mul3A = arith.constant 2 : i32
    %mul3A_0 = arith.muli %arg1, %mul3A : i32
    %add3A = arith.addi %mul3A_0, %arg0 : i32
    %broadcast_in_dim3A = arith.constant 0.000000e+00 : f32
    %broadcast_in_dim3A_1 = vector.broadcast %broadcast_in_dim3A : f32 to vector<16xf32>
    %scan3A = arith.constant 0 : i32
    %scan3A_2 = arith.constant 0 : i32
    %scan3A_3 = arith.constant 512 : i32
    %scan3A_4 = arith.addi %scan3A_2, %scan3A_3 : i32
    %scan3A_5 = arith.constant 1 : i32
    scf.for %scan3A_31 = %scan3A_2 to %scan3A_4 step %scan3A_5  : i32 {
      %jit3A_32 = arith.constant 4 : i32
      %div3A = arith.divsi %scan3A_31, %jit3A_32 : i32
      %sign3A = arith.constant 0 : i32
      %sign3A_33 = arith.cmpi sgt, %scan3A_31, %sign3A : i32
      %sign3A_34 = arith.extui %sign3A_33 : i1 to i32
      %sign3A_35 = arith.constant 0 : i32
      %sign3A_36 = arith.cmpi slt, %scan3A_31, %sign3A_35 : i32
      %sign3A_37 = arith.extui %sign3A_36 : i1 to i32
      %sign3A_38 = arith.subi %sign3A_34, %sign3A_37 : i32
      %sign3A_39 = arith.constant 0 : i32
      %sign3A_40 = arith.cmpi sgt, %jit3A_32, %sign3A_39 : i32
      %sign3A_41 = arith.extui %sign3A_40 : i1 to i32
      %sign3A_42 = arith.constant 0 : i32
      %sign3A_43 = arith.cmpi slt, %jit3A_32, %sign3A_42 : i32
      %sign3A_44 = arith.extui %sign3A_43 : i1 to i32
      %sign3A_45 = arith.subi %sign3A_41, %sign3A_44 : i32
      %ne3A = arith.cmpi ne, %sign3A_38, %sign3A_45 : i32
      %rem3A = arith.remsi %scan3A_31, %jit3A_32 : i32
      %ne3A_46 = arith.constant 0 : i32
      %ne3A_47 = arith.cmpi ne, %rem3A, %ne3A_46 : i32
      %and3A = arith.andi %ne3A, %ne3A_47 : i1
      %sub3A = arith.constant 1 : i32
      %sub3A_48 = arith.subi %div3A, %sub3A : i32
      %select_n3A_49 = arith.select %and3A, %sub3A_48, %div3A : i32
      %jit3A_50 = arith.constant 4 : i32
      %eq3A_51 = arith.constant 0 : i32
      %eq3A_52 = arith.cmpi eq, %jit3A_50, %eq3A_51 : i32
      %jit3A_53 = arith.constant 1 : i32
      %select_n3A_54 = arith.select %eq3A_52, %jit3A_53, %jit3A_50 : i32
      %rem3A_55 = arith.remsi %scan3A_31, %select_n3A_54 : i32
      %ne3A_56 = arith.constant 0 : i32
      %ne3A_57 = arith.cmpi ne, %rem3A_55, %ne3A_56 : i32
      %lt3A = arith.constant 0 : i32
      %lt3A_58 = arith.cmpi slt, %rem3A_55, %lt3A : i32
      %lt3A_59 = arith.constant 0 : i32
      %lt3A_60 = arith.cmpi slt, %select_n3A_54, %lt3A_59 : i32
      %ne3A_61 = arith.xori %lt3A_58, %lt3A_60 : i1
      %and3A_62 = arith.andi %ne3A_61, %ne3A_57 : i1
      %add3A_63 = arith.addi %rem3A_55, %select_n3A_54 : i32
      %select_n3A_64 = arith.select %and3A_62, %add3A_63, %rem3A_55 : i32
      %mul3A_65 = arith.constant 16 : i32
      %mul3A_66 = arith.muli %select_n3A_64, %mul3A_65 : i32
      %swap3A = arith.index_cast %select_n3A_49 : i32 to index
      %swap3A_67 = arith.index_cast %mul3A_66 : i32 to index
      %swap3A_68 = tpu.vector_load %arg9[%swap3A, %swap3A_67] {strides = array<i32>} : memref<128x64xf32, #tpu.memory_space<vmem>>, vector<1x16xf32>,
      %swap3A_69 = vector.shape_cast %swap3A_68 : vector<1x16xf32> to vector<16xf32>
      %swap3A_70 = vector.shape_cast %broadcast_in_dim3A_1 : vector<16xf32> to vector<1x16xf32>
      tpu.vector_store %arg9[%swap3A, %swap3A_67], %swap3A_70 {strides = array<i32>} : memref<128x64xf32, #tpu.memory_space<vmem>>, vector<1x16xf32>,
    }
    %scan3A_6 = arith.constant 512 : i32
    %scan3A_7 = arith.constant 0 : i32
    %scan3A_8 = arith.constant 0 : i32
    %scan3A_9 = arith.constant 5 : i32
    %scan3A_10 = arith.addi %scan3A_8, %scan3A_9 : i32
    %scan3A_11 = arith.constant 1 : i32
    scf.for %scan3A_31 = %scan3A_8 to %scan3A_10 step %scan3A_11  : i32 {
      %mul3A_32 = arith.constant 640 : i32
      %mul3A_33 = arith.muli %arg1, %mul3A_32 : i32
      %mul3A_34 = arith.constant 128 : i32
      %mul3A_35 = arith.muli %scan3A_31, %mul3A_34 : i32
      %add3A_36 = arith.addi %mul3A_33, %mul3A_35 : i32
      "tpu.region"() ({
        %run_scoped3A = tpu.sem_alloc : memref<!tpu.dma_semaphore, #tpu.memory_space<semaphore_mem>>
        %dma_start3A = arith.constant 0 : i32
        %dma_start3A_37 = tpu.memref_slice %arg6[%add3A_36, %dma_start3A] : memref<10240x64xf32, #tpu.memory_space<vmem_shared>> -> memref<128x64xf32, #tpu.memory_space<vmem_shared>>
        %dma_start3A_38 = arith.constant 0 : i32
        %dma_start3A_39 = tpu.memref_slice %arg6[%add3A_36, %dma_start3A_38] : memref<10240x64xf32, #tpu.memory_space<vmem_shared>> -> memref<128x64xf32, #tpu.memory_space<vmem_shared>>
        tpu.enqueue_dma source(%arg9 : memref<128x64xf32, #tpu.memory_space<vmem>>) target(%dma_start3A_39 : memref<128x64xf32, #tpu.memory_space<vmem_shared>>) target_semaphore(%run_scoped3A : memref<!tpu.dma_semaphore, #tpu.memory_space<semaphore_mem>>)
        %dma_wait3A = arith.constant 0 : i32
        %dma_wait3A_40 = tpu.memref_slice %arg6[%add3A_36, %dma_wait3A] : memref<10240x64xf32, #tpu.memory_space<vmem_shared>> -> memref<128x64xf32, #tpu.memory_space<vmem_shared>>
        %dma_wait3A_41 = arith.constant 0 : i32
        %dma_wait3A_42 = tpu.memref_slice %arg6[%add3A_36, %dma_wait3A_41] : memref<10240x64xf32, #tpu.memory_space<vmem_shared>> -> memref<128x64xf32, #tpu.memory_space<vmem_shared>>
        tpu.wait_dma2 semaphore(%run_scoped3A : memref<!tpu.dma_semaphore, #tpu.memory_space<semaphore_mem>>) src(%arg9 : memref<128x64xf32, #tpu.memory_space<vmem>>) dst(%dma_wait3A_42 : memref<128x64xf32, #tpu.memory_space<vmem_shared>>)
        tpu.yield
      }) : () -> ()
    }
    %scan3A_12 = arith.constant 5 : i32
    "tpu.region"() ({
      %run_scoped3A = tpu.sem_alloc : memref<!tpu.dma_semaphore, #tpu.memory_space<semaphore_mem>>
      %dma_start3A = arith.constant 0 : i32
      %dma_start3A_31 = arith.constant 0 : i32
      %dma_start3A_32 = tpu.memref_slice %arg3[%add3A, %dma_start3A, %dma_start3A_31] : memref<32x90x128xi32, #tpu.memory_space<hbm>> -> memref<1x90x128xi32, #tpu.memory_space<hbm>>
      %dma_start3A_33 = tpu.memref_squeeze %dma_start3A_32 : memref<1x90x128xi32, #tpu.memory_space<hbm>> -> memref<90x128xi32, #tpu.memory_space<hbm>>
      %dma_start3A_34 = arith.constant 0 : i32
      %dma_start3A_35 = arith.constant 0 : i32
      %dma_start3A_36 = tpu.memref_slice %arg3[%add3A, %dma_start3A_34, %dma_start3A_35] : memref<32x90x128xi32, #tpu.memory_space<hbm>> -> memref<1x90x128xi32, #tpu.memory_space<hbm>>
      %dma_start3A_37 = tpu.memref_squeeze %dma_start3A_36 : memref<1x90x128xi32, #tpu.memory_space<hbm>> -> memref<90x128xi32, #tpu.memory_space<hbm>>
      tpu.enqueue_dma source(%dma_start3A_37 : memref<90x128xi32, #tpu.memory_space<hbm>>) target(%arg7 : memref<90x128xi32, #tpu.memory_space<vmem>>) target_semaphore(%run_scoped3A : memref<!tpu.dma_semaphore, #tpu.memory_space<semaphore_mem>>)
      %dma_wait3A = arith.constant 0 : i32
      %dma_wait3A_38 = arith.constant 0 : i32
      %dma_wait3A_39 = tpu.memref_slice %arg3[%add3A, %dma_wait3A, %dma_wait3A_38] : memref<32x90x128xi32, #tpu.memory_space<hbm>> -> memref<1x90x128xi32, #tpu.memory_space<hbm>>
      %dma_wait3A_40 = tpu.memref_squeeze %dma_wait3A_39 : memref<1x90x128xi32, #tpu.memory_space<hbm>> -> memref<90x128xi32, #tpu.memory_space<hbm>>
      %dma_wait3A_41 = arith.constant 0 : i32
      %dma_wait3A_42 = arith.constant 0 : i32
      %dma_wait3A_43 = tpu.memref_slice %arg3[%add3A, %dma_wait3A_41, %dma_wait3A_42] : memref<32x90x128xi32, #tpu.memory_space<hbm>> -> memref<1x90x128xi32, #tpu.memory_space<hbm>>
      %dma_wait3A_44 = tpu.memref_squeeze %dma_wait3A_43 : memref<1x90x128xi32, #tpu.memory_space<hbm>> -> memref<90x128xi32, #tpu.memory_space<hbm>>
      tpu.wait_dma2 semaphore(%run_scoped3A : memref<!tpu.dma_semaphore, #tpu.memory_space<semaphore_mem>>) src(%dma_wait3A_44 : memref<90x128xi32, #tpu.memory_space<hbm>>) dst(%arg7 : memref<90x128xi32, #tpu.memory_space<vmem>>)
      tpu.yield
    }) : () -> ()
    "tpu.region"() ({
      %run_scoped3A = tpu.sem_alloc : memref<!tpu.dma_semaphore, #tpu.memory_space<semaphore_mem>>
      %dma_start3A = arith.constant 0 : i32
      %dma_start3A_31 = arith.constant 0 : i32
      %dma_start3A_32 = tpu.memref_slice %arg4[%add3A, %dma_start3A, %dma_start3A_31] : memref<32x90x128xi32, #tpu.memory_space<hbm>> -> memref<1x90x128xi32, #tpu.memory_space<hbm>>
      %dma_start3A_33 = tpu.memref_squeeze %dma_start3A_32 : memref<1x90x128xi32, #tpu.memory_space<hbm>> -> memref<90x128xi32, #tpu.memory_space<hbm>>
      %dma_start3A_34 = arith.constant 0 : i32
      %dma_start3A_35 = arith.constant 0 : i32
      %dma_start3A_36 = tpu.memref_slice %arg4[%add3A, %dma_start3A_34, %dma_start3A_35] : memref<32x90x128xi32, #tpu.memory_space<hbm>> -> memref<1x90x128xi32, #tpu.memory_space<hbm>>
      %dma_start3A_37 = tpu.memref_squeeze %dma_start3A_36 : memref<1x90x128xi32, #tpu.memory_space<hbm>> -> memref<90x128xi32, #tpu.memory_space<hbm>>
      tpu.enqueue_dma source(%dma_start3A_37 : memref<90x128xi32, #tpu.memory_space<hbm>>) target(%arg8 : memref<90x128xi32, #tpu.memory_space<vmem>>) target_semaphore(%run_scoped3A : memref<!tpu.dma_semaphore, #tpu.memory_space<semaphore_mem>>)
      %dma_wait3A = arith.constant 0 : i32
      %dma_wait3A_38 = arith.constant 0 : i32
      %dma_wait3A_39 = tpu.memref_slice %arg4[%add3A, %dma_wait3A, %dma_wait3A_38] : memref<32x90x128xi32, #tpu.memory_space<hbm>> -> memref<1x90x128xi32, #tpu.memory_space<hbm>>
      %dma_wait3A_40 = tpu.memref_squeeze %dma_wait3A_39 : memref<1x90x128xi32, #tpu.memory_space<hbm>> -> memref<90x128xi32, #tpu.memory_space<hbm>>
      %dma_wait3A_41 = arith.constant 0 : i32
      %dma_wait3A_42 = arith.constant 0 : i32
      %dma_wait3A_43 = tpu.memref_slice %arg4[%add3A, %dma_wait3A_41, %dma_wait3A_42] : memref<32x90x128xi32, #tpu.memory_space<hbm>> -> memref<1x90x128xi32, #tpu.memory_space<hbm>>
      %dma_wait3A_44 = tpu.memref_squeeze %dma_wait3A_43 : memref<1x90x128xi32, #tpu.memory_space<hbm>> -> memref<90x128xi32, #tpu.memory_space<hbm>>
      tpu.wait_dma2 semaphore(%run_scoped3A : memref<!tpu.dma_semaphore, #tpu.memory_space<semaphore_mem>>) src(%dma_wait3A_44 : memref<90x128xi32, #tpu.memory_space<hbm>>) dst(%arg8 : memref<90x128xi32, #tpu.memory_space<vmem>>)
      tpu.yield
    }) : () -> ()
    %eq3A = arith.constant 0 : i32
    %eq3A_13 = arith.cmpi eq, %arg0, %eq3A : i32
    %jit3A = arith.constant 90 : i32
    %jit3A_14 = arith.constant 68 : i32
    %select_n3A = arith.select %eq3A_13, %jit3A, %jit3A_14 : i32
    %barrier3A = arith.constant 0 : index
    tpu.barrier barrier_id(%barrier3A)
    %while3A = arith.constant 0 : i32
    %while3A_15 = arith.constant 0 : i32
    %while3A_16 = arith.subi %select_n3A, %while3A_15 : i32
    %while3A_17 = arith.addi %while3A_15, %while3A_16 : i32
    %while3A_18 = arith.constant 1 : i32
    %while3A_19 = arith.divsi %while3A_16, %while3A_18 : i32
    %while3A_20 = arith.muli %while3A_19, %while3A_18 : i32
    %while3A_21 = arith.addi %while3A_15, %while3A_20 : i32
    %while3A_22 = arith.constant 1 : i32
    scf.for %while3A_31 = %while3A_15 to %while3A_21 step %while3A_22  : i32 {
      %dma_start3A = arith.constant 0 : i32
      %dma_start3A_32 = tpu.memref_slice %arg7[%while3A_31, %dma_start3A] : memref<90x128xi32, #tpu.memory_space<vmem>> -> memref<1x128xi32, #tpu.memory_space<vmem>>
      %dma_start3A_33 = tpu.memref_squeeze %dma_start3A_32 : memref<1x128xi32, #tpu.memory_space<vmem>> -> memref<128xi32, #tpu.memory_space<vmem>>
      %dma_start3A_34 = arith.constant 0 : i32
      %dma_start3A_35 = arith.constant 0 : i32
      %dma_start3A_36 = tpu.memref_slice %arg2[%dma_start3A_34, %dma_start3A_35] : memref<10240x64xf32, #tpu.memory_space<hbm>> -> memref<10240x64xf32, #tpu.memory_space<hbm>>
      tpu.enqueue_indirect_dma source(%dma_start3A_36 : memref<10240x64xf32, #tpu.memory_space<hbm>>) target(%arg9 : memref<128x64xf32, #tpu.memory_space<vmem>>) offsets(%dma_start3A_33 : memref<128xi32, #tpu.memory_space<vmem>>) semaphore(%arg10 : memref<!tpu.dma_semaphore, #tpu.memory_space<semaphore_mem>>)
      %dma_wait3A = arith.constant 0 : i32
      %dma_wait3A_37 = tpu.memref_slice %arg7[%while3A_31, %dma_wait3A] : memref<90x128xi32, #tpu.memory_space<vmem>> -> memref<1x128xi32, #tpu.memory_space<vmem>>
      %dma_wait3A_38 = tpu.memref_squeeze %dma_wait3A_37 : memref<1x128xi32, #tpu.memory_space<vmem>> -> memref<128xi32, #tpu.memory_space<vmem>>
      %dma_wait3A_39 = arith.constant 0 : i32
      %dma_wait3A_40 = arith.constant 0 : i32
      %dma_wait3A_41 = tpu.memref_slice %arg2[%dma_wait3A_39, %dma_wait3A_40] : memref<10240x64xf32, #tpu.memory_space<hbm>> -> memref<10240x64xf32, #tpu.memory_space<hbm>>
      tpu.wait_indirect_dma semaphore(%arg10 : memref<!tpu.dma_semaphore, #tpu.memory_space<semaphore_mem>>) src(%dma_wait3A_41 : memref<10240x64xf32, #tpu.memory_space<hbm>>) dst(%arg9 : memref<128x64xf32, #tpu.memory_space<vmem>>)
      "tpu.region"() ({
        %run_scoped3A = tpu.sem_alloc : memref<!tpu.dma_semaphore, #tpu.memory_space<semaphore_mem>>
        %dma_start3A_42 = arith.constant 0 : i32
        %dma_start3A_43 = tpu.memref_slice %arg8[%while3A_31, %dma_start3A_42] : memref<90x128xi32, #tpu.memory_space<vmem>> -> memref<1x128xi32, #tpu.memory_space<vmem>>
        %dma_start3A_44 = tpu.memref_squeeze %dma_start3A_43 : memref<1x128xi32, #tpu.memory_space<vmem>> -> memref<128xi32, #tpu.memory_space<vmem>>
        %dma_start3A_45 = arith.constant 0 : i32
        %dma_start3A_46 = arith.constant 0 : i32
        %dma_start3A_47 = tpu.memref_slice %arg6[%dma_start3A_45, %dma_start3A_46] : memref<10240x64xf32, #tpu.memory_space<vmem_shared>> -> memref<10240x64xf32, #tpu.memory_space<vmem_shared>>
        tpu.enqueue_indirect_dma source(%arg9 : memref<128x64xf32, #tpu.memory_space<vmem>>) target(%dma_start3A_47 : memref<10240x64xf32, #tpu.memory_space<vmem_shared>>) offsets(%dma_start3A_44 : memref<128xi32, #tpu.memory_space<vmem>>) semaphore(%run_scoped3A : memref<!tpu.dma_semaphore, #tpu.memory_space<semaphore_mem>>) {add = true}
        %dma_wait3A_48 = arith.constant 0 : i32
        %dma_wait3A_49 = tpu.memref_slice %arg8[%while3A_31, %dma_wait3A_48] : memref<90x128xi32, #tpu.memory_space<vmem>> -> memref<1x128xi32, #tpu.memory_space<vmem>>
        %dma_wait3A_50 = tpu.memref_squeeze %dma_wait3A_49 : memref<1x128xi32, #tpu.memory_space<vmem>> -> memref<128xi32, #tpu.memory_space<vmem>>
        %dma_wait3A_51 = arith.constant 0 : i32
        %dma_wait3A_52 = arith.constant 0 : i32
        %dma_wait3A_53 = tpu.memref_slice %arg6[%dma_wait3A_51, %dma_wait3A_52] : memref<10240x64xf32, #tpu.memory_space<vmem_shared>> -> memref<10240x64xf32, #tpu.memory_space<vmem_shared>>
        tpu.wait_indirect_dma semaphore(%run_scoped3A : memref<!tpu.dma_semaphore, #tpu.memory_space<semaphore_mem>>) src(%arg9 : memref<128x64xf32, #tpu.memory_space<vmem>>) dst(%dma_wait3A_53 : memref<10240x64xf32, #tpu.memory_space<vmem_shared>>)
        tpu.yield
      }) : () -> ()
    }
    %while3A_23 = arith.constant 1 : i32
    scf.for %while3A_31 = %while3A_21 to %while3A_17 step %while3A_23  : i32 {
      %dma_start3A = arith.constant 0 : i32
      %dma_start3A_32 = tpu.memref_slice %arg7[%while3A_31, %dma_start3A] : memref<90x128xi32, #tpu.memory_space<vmem>> -> memref<1x128xi32, #tpu.memory_space<vmem>>
      %dma_start3A_33 = tpu.memref_squeeze %dma_start3A_32 : memref<1x128xi32, #tpu.memory_space<vmem>> -> memref<128xi32, #tpu.memory_space<vmem>>
      %dma_start3A_34 = arith.constant 0 : i32
      %dma_start3A_35 = arith.constant 0 : i32
      %dma_start3A_36 = tpu.memref_slice %arg2[%dma_start3A_34, %dma_start3A_35] : memref<10240x64xf32, #tpu.memory_space<hbm>> -> memref<10240x64xf32, #tpu.memory_space<hbm>>
      tpu.enqueue_indirect_dma source(%dma_start3A_36 : memref<10240x64xf32, #tpu.memory_space<hbm>>) target(%arg9 : memref<128x64xf32, #tpu.memory_space<vmem>>) offsets(%dma_start3A_33 : memref<128xi32, #tpu.memory_space<vmem>>) semaphore(%arg10 : memref<!tpu.dma_semaphore, #tpu.memory_space<semaphore_mem>>)
      %dma_wait3A = arith.constant 0 : i32
      %dma_wait3A_37 = tpu.memref_slice %arg7[%while3A_31, %dma_wait3A] : memref<90x128xi32, #tpu.memory_space<vmem>> -> memref<1x128xi32, #tpu.memory_space<vmem>>
      %dma_wait3A_38 = tpu.memref_squeeze %dma_wait3A_37 : memref<1x128xi32, #tpu.memory_space<vmem>> -> memref<128xi32, #tpu.memory_space<vmem>>
      %dma_wait3A_39 = arith.constant 0 : i32
      %dma_wait3A_40 = arith.constant 0 : i32
      %dma_wait3A_41 = tpu.memref_slice %arg2[%dma_wait3A_39, %dma_wait3A_40] : memref<10240x64xf32, #tpu.memory_space<hbm>> -> memref<10240x64xf32, #tpu.memory_space<hbm>>
      tpu.wait_indirect_dma semaphore(%arg10 : memref<!tpu.dma_semaphore, #tpu.memory_space<semaphore_mem>>) src(%dma_wait3A_41 : memref<10240x64xf32, #tpu.memory_space<hbm>>) dst(%arg9 : memref<128x64xf32, #tpu.memory_space<vmem>>)
      "tpu.region"() ({
        %run_scoped3A = tpu.sem_alloc : memref<!tpu.dma_semaphore, #tpu.memory_space<semaphore_mem>>
        %dma_start3A_42 = arith.constant 0 : i32
        %dma_start3A_43 = tpu.memref_slice %arg8[%while3A_31, %dma_start3A_42] : memref<90x128xi32, #tpu.memory_space<vmem>> -> memref<1x128xi32, #tpu.memory_space<vmem>>
        %dma_start3A_44 = tpu.memref_squeeze %dma_start3A_43 : memref<1x128xi32, #tpu.memory_space<vmem>> -> memref<128xi32, #tpu.memory_space<vmem>>
        %dma_start3A_45 = arith.constant 0 : i32
        %dma_start3A_46 = arith.constant 0 : i32
        %dma_start3A_47 = tpu.memref_slice %arg6[%dma_start3A_45, %dma_start3A_46] : memref<10240x64xf32, #tpu.memory_space<vmem_shared>> -> memref<10240x64xf32, #tpu.memory_space<vmem_shared>>
        tpu.enqueue_indirect_dma source(%arg9 : memref<128x64xf32, #tpu.memory_space<vmem>>) target(%dma_start3A_47 : memref<10240x64xf32, #tpu.memory_space<vmem_shared>>) offsets(%dma_start3A_44 : memref<128xi32, #tpu.memory_space<vmem>>) semaphore(%run_scoped3A : memref<!tpu.dma_semaphore, #tpu.memory_space<semaphore_mem>>) {add = true}
        %dma_wait3A_48 = arith.constant 0 : i32
        %dma_wait3A_49 = tpu.memref_slice %arg8[%while3A_31, %dma_wait3A_48] : memref<90x128xi32, #tpu.memory_space<vmem>> -> memref<1x128xi32, #tpu.memory_space<vmem>>
        %dma_wait3A_50 = tpu.memref_squeeze %dma_wait3A_49 : memref<1x128xi32, #tpu.memory_space<vmem>> -> memref<128xi32, #tpu.memory_space<vmem>>
        %dma_wait3A_51 = arith.constant 0 : i32
        %dma_wait3A_52 = arith.constant 0 : i32
        %dma_wait3A_53 = tpu.memref_slice %arg6[%dma_wait3A_51, %dma_wait3A_52] : memref<10240x64xf32, #tpu.memory_space<vmem_shared>> -> memref<10240x64xf32, #tpu.memory_space<vmem_shared>>
        tpu.wait_indirect_dma semaphore(%run_scoped3A : memref<!tpu.dma_semaphore, #tpu.memory_space<semaphore_mem>>) src(%arg9 : memref<128x64xf32, #tpu.memory_space<vmem>>) dst(%dma_wait3A_53 : memref<10240x64xf32, #tpu.memory_space<vmem_shared>>)
        tpu.yield
      }) : () -> ()
    }
    %barrier3A_24 = arith.constant 0 : index
    tpu.barrier barrier_id(%barrier3A_24)
    %scan3A_25 = arith.constant 0 : i32
    %scan3A_26 = arith.constant 0 : i32
    %scan3A_27 = arith.constant 5 : i32
    %scan3A_28 = arith.addi %scan3A_26, %scan3A_27 : i32
    %scan3A_29 = arith.constant 1 : i32
    scf.for %scan3A_31 = %scan3A_26 to %scan3A_28 step %scan3A_29  : i32 {
      %mul3A_32 = arith.constant 640 : i32
      %mul3A_33 = arith.muli %arg1, %mul3A_32 : i32
      %mul3A_34 = arith.constant 128 : i32
      %mul3A_35 = arith.muli %scan3A_31, %mul3A_34 : i32
      %add3A_36 = arith.addi %mul3A_33, %mul3A_35 : i32
      %mul3A_37 = arith.constant 64 : i32
      %mul3A_38 = arith.muli %arg0, %mul3A_37 : i32
      "tpu.region"() ({
        %run_scoped3A = tpu.sem_alloc : memref<!tpu.dma_semaphore, #tpu.memory_space<semaphore_mem>>
        %dma_start3A = tpu.memref_slice %arg5[%add3A_36, %mul3A_38] : memref<10240x128xf32, #tpu.memory_space<hbm>> -> memref<128x64xf32, #tpu.memory_space<hbm>>
        %dma_start3A_39 = arith.constant 0 : i32
        %dma_start3A_40 = tpu.memref_slice %arg6[%add3A_36, %dma_start3A_39] : memref<10240x64xf32, #tpu.memory_space<vmem_shared>> -> memref<128x64xf32, #tpu.memory_space<vmem_shared>>
        tpu.enqueue_dma source(%dma_start3A_40 : memref<128x64xf32, #tpu.memory_space<vmem_shared>>) target(%dma_start3A : memref<128x64xf32, #tpu.memory_space<hbm>>) target_semaphore(%run_scoped3A : memref<!tpu.dma_semaphore, #tpu.memory_space<semaphore_mem>>)
        %dma_wait3A = tpu.memref_slice %arg5[%add3A_36, %mul3A_38] : memref<10240x128xf32, #tpu.memory_space<hbm>> -> memref<128x64xf32, #tpu.memory_space<hbm>>
        %dma_wait3A_41 = arith.constant 0 : i32
        %dma_wait3A_42 = tpu.memref_slice %arg6[%add3A_36, %dma_wait3A_41] : memref<10240x64xf32, #tpu.memory_space<vmem_shared>> -> memref<128x64xf32, #tpu.memory_space<vmem_shared>>
        tpu.wait_dma2 semaphore(%run_scoped3A : memref<!tpu.dma_semaphore, #tpu.memory_space<semaphore_mem>>) src(%dma_wait3A_42 : memref<128x64xf32, #tpu.memory_space<vmem_shared>>) dst(%dma_wait3A : memref<128x64xf32, #tpu.memory_space<hbm>>)
        tpu.yield
      }) : () -> ()
    }
    %scan3A_30 = arith.constant 5 : i32
    return
  }
}

#map = affine_map<(d0, d1) -> (0, 0, 0)>
#map1 = affine_map<(d0, d1) -> (0, 0)>
module attributes {stable_mosaic.version = 14 : i64} {
  func.func @_deg_body(%arg0: i32, %arg1: i32, %arg2: memref<32x90x128xi32, #tpu.memory_space<hbm>>, %arg3: memref<10240x32xf32, #tpu.memory_space<hbm>>, %arg4: memref<10240x16xf32, #tpu.memory_space<vmem_shared>>, %arg5: memref<90x128xi32, #tpu.memory_space<vmem>>, %arg6: memref<128x16xf32, #tpu.memory_space<vmem>>) attributes {dimension_semantics = [#tpu.dimension_semantics<core_parallel>, #tpu.dimension_semantics<subcore_parallel>], iteration_bounds = array<i64: 2, 16>, scalar_prefetch = 0 : i64, scratch_operands = 3 : i64, tpu.core_type = #tpu.core_type<sc_vector_subcore>, window_params = [{transform_indices = #map}, {transform_indices = #map1}]} {
    %mul3A = arith.constant 2 : i32
    %mul3A_0 = arith.muli %arg1, %mul3A : i32
    %add3A = arith.addi %mul3A_0, %arg0 : i32
    %broadcast_in_dim3A = arith.constant 0.000000e+00 : f32
    %broadcast_in_dim3A_1 = vector.broadcast %broadcast_in_dim3A : f32 to vector<16xf32>
    %scan3A = arith.constant 0 : i32
    %scan3A_2 = arith.constant 0 : i32
    %scan3A_3 = arith.constant 128 : i32
    %scan3A_4 = arith.addi %scan3A_2, %scan3A_3 : i32
    %scan3A_5 = arith.constant 1 : i32
    scf.for %scan3A_39 = %scan3A_2 to %scan3A_4 step %scan3A_5  : i32 {
      %jit3A_40 = arith.constant 1 : i32
      %div3A = arith.divsi %scan3A_39, %jit3A_40 : i32
      %sign3A = arith.constant 0 : i32
      %sign3A_41 = arith.cmpi sgt, %scan3A_39, %sign3A : i32
      %sign3A_42 = arith.extui %sign3A_41 : i1 to i32
      %sign3A_43 = arith.constant 0 : i32
      %sign3A_44 = arith.cmpi slt, %scan3A_39, %sign3A_43 : i32
      %sign3A_45 = arith.extui %sign3A_44 : i1 to i32
      %sign3A_46 = arith.subi %sign3A_42, %sign3A_45 : i32
      %sign3A_47 = arith.constant 0 : i32
      %sign3A_48 = arith.cmpi sgt, %jit3A_40, %sign3A_47 : i32
      %sign3A_49 = arith.extui %sign3A_48 : i1 to i32
      %sign3A_50 = arith.constant 0 : i32
      %sign3A_51 = arith.cmpi slt, %jit3A_40, %sign3A_50 : i32
      %sign3A_52 = arith.extui %sign3A_51 : i1 to i32
      %sign3A_53 = arith.subi %sign3A_49, %sign3A_52 : i32
      %ne3A = arith.cmpi ne, %sign3A_46, %sign3A_53 : i32
      %rem3A = arith.remsi %scan3A_39, %jit3A_40 : i32
      %ne3A_54 = arith.constant 0 : i32
      %ne3A_55 = arith.cmpi ne, %rem3A, %ne3A_54 : i32
      %and3A = arith.andi %ne3A, %ne3A_55 : i1
      %sub3A = arith.constant 1 : i32
      %sub3A_56 = arith.subi %div3A, %sub3A : i32
      %select_n3A_57 = arith.select %and3A, %sub3A_56, %div3A : i32
      %jit3A_58 = arith.constant 1 : i32
      %eq3A_59 = arith.constant 0 : i32
      %eq3A_60 = arith.cmpi eq, %jit3A_58, %eq3A_59 : i32
      %jit3A_61 = arith.constant 1 : i32
      %select_n3A_62 = arith.select %eq3A_60, %jit3A_61, %jit3A_58 : i32
      %rem3A_63 = arith.remsi %scan3A_39, %select_n3A_62 : i32
      %ne3A_64 = arith.constant 0 : i32
      %ne3A_65 = arith.cmpi ne, %rem3A_63, %ne3A_64 : i32
      %lt3A = arith.constant 0 : i32
      %lt3A_66 = arith.cmpi slt, %rem3A_63, %lt3A : i32
      %lt3A_67 = arith.constant 0 : i32
      %lt3A_68 = arith.cmpi slt, %select_n3A_62, %lt3A_67 : i32
      %ne3A_69 = arith.xori %lt3A_66, %lt3A_68 : i1
      %and3A_70 = arith.andi %ne3A_69, %ne3A_65 : i1
      %add3A_71 = arith.addi %rem3A_63, %select_n3A_62 : i32
      %select_n3A_72 = arith.select %and3A_70, %add3A_71, %rem3A_63 : i32
      %mul3A_73 = arith.constant 16 : i32
      %mul3A_74 = arith.muli %select_n3A_72, %mul3A_73 : i32
      %swap3A = arith.index_cast %select_n3A_57 : i32 to index
      %swap3A_75 = arith.index_cast %mul3A_74 : i32 to index
      %swap3A_76 = tpu.vector_load %arg6[%swap3A, %swap3A_75] {strides = array<i32>} : memref<128x16xf32, #tpu.memory_space<vmem>>, vector<1x16xf32>,
      %swap3A_77 = vector.shape_cast %swap3A_76 : vector<1x16xf32> to vector<16xf32>
      %swap3A_78 = vector.shape_cast %broadcast_in_dim3A_1 : vector<16xf32> to vector<1x16xf32>
      tpu.vector_store %arg6[%swap3A, %swap3A_75], %swap3A_78 {strides = array<i32>} : memref<128x16xf32, #tpu.memory_space<vmem>>, vector<1x16xf32>,
    }
    %scan3A_6 = arith.constant 128 : i32
    %scan3A_7 = arith.constant 0 : i32
    %scan3A_8 = arith.constant 0 : i32
    %scan3A_9 = arith.constant 5 : i32
    %scan3A_10 = arith.addi %scan3A_8, %scan3A_9 : i32
    %scan3A_11 = arith.constant 1 : i32
    scf.for %scan3A_39 = %scan3A_8 to %scan3A_10 step %scan3A_11  : i32 {
      %mul3A_40 = arith.constant 640 : i32
      %mul3A_41 = arith.muli %arg1, %mul3A_40 : i32
      %mul3A_42 = arith.constant 128 : i32
      %mul3A_43 = arith.muli %scan3A_39, %mul3A_42 : i32
      %add3A_44 = arith.addi %mul3A_41, %mul3A_43 : i32
      "tpu.region"() ({
        %run_scoped3A = tpu.sem_alloc : memref<!tpu.dma_semaphore, #tpu.memory_space<semaphore_mem>>
        %dma_start3A = arith.constant 0 : i32
        %dma_start3A_45 = tpu.memref_slice %arg4[%add3A_44, %dma_start3A] : memref<10240x16xf32, #tpu.memory_space<vmem_shared>> -> memref<128x16xf32, #tpu.memory_space<vmem_shared>>
        %dma_start3A_46 = arith.constant 0 : i32
        %dma_start3A_47 = tpu.memref_slice %arg4[%add3A_44, %dma_start3A_46] : memref<10240x16xf32, #tpu.memory_space<vmem_shared>> -> memref<128x16xf32, #tpu.memory_space<vmem_shared>>
        tpu.enqueue_dma source(%arg6 : memref<128x16xf32, #tpu.memory_space<vmem>>) target(%dma_start3A_47 : memref<128x16xf32, #tpu.memory_space<vmem_shared>>) target_semaphore(%run_scoped3A : memref<!tpu.dma_semaphore, #tpu.memory_space<semaphore_mem>>)
        %dma_wait3A = arith.constant 0 : i32
        %dma_wait3A_48 = tpu.memref_slice %arg4[%add3A_44, %dma_wait3A] : memref<10240x16xf32, #tpu.memory_space<vmem_shared>> -> memref<128x16xf32, #tpu.memory_space<vmem_shared>>
        %dma_wait3A_49 = arith.constant 0 : i32
        %dma_wait3A_50 = tpu.memref_slice %arg4[%add3A_44, %dma_wait3A_49] : memref<10240x16xf32, #tpu.memory_space<vmem_shared>> -> memref<128x16xf32, #tpu.memory_space<vmem_shared>>
        tpu.wait_dma2 semaphore(%run_scoped3A : memref<!tpu.dma_semaphore, #tpu.memory_space<semaphore_mem>>) src(%arg6 : memref<128x16xf32, #tpu.memory_space<vmem>>) dst(%dma_wait3A_50 : memref<128x16xf32, #tpu.memory_space<vmem_shared>>)
        tpu.yield
      }) : () -> ()
    }
    %scan3A_12 = arith.constant 5 : i32
    %broadcast_in_dim3A_13 = arith.constant 1.000000e+00 : f32
    %broadcast_in_dim3A_14 = vector.broadcast %broadcast_in_dim3A_13 : f32 to vector<16xf32>
    %scan3A_15 = arith.constant 0 : i32
    %scan3A_16 = arith.constant 0 : i32
    %scan3A_17 = arith.constant 128 : i32
    %scan3A_18 = arith.addi %scan3A_16, %scan3A_17 : i32
    %scan3A_19 = arith.constant 1 : i32
    scf.for %scan3A_39 = %scan3A_16 to %scan3A_18 step %scan3A_19  : i32 {
      %jit3A_40 = arith.constant 1 : i32
      %div3A = arith.divsi %scan3A_39, %jit3A_40 : i32
      %sign3A = arith.constant 0 : i32
      %sign3A_41 = arith.cmpi sgt, %scan3A_39, %sign3A : i32
      %sign3A_42 = arith.extui %sign3A_41 : i1 to i32
      %sign3A_43 = arith.constant 0 : i32
      %sign3A_44 = arith.cmpi slt, %scan3A_39, %sign3A_43 : i32
      %sign3A_45 = arith.extui %sign3A_44 : i1 to i32
      %sign3A_46 = arith.subi %sign3A_42, %sign3A_45 : i32
      %sign3A_47 = arith.constant 0 : i32
      %sign3A_48 = arith.cmpi sgt, %jit3A_40, %sign3A_47 : i32
      %sign3A_49 = arith.extui %sign3A_48 : i1 to i32
      %sign3A_50 = arith.constant 0 : i32
      %sign3A_51 = arith.cmpi slt, %jit3A_40, %sign3A_50 : i32
      %sign3A_52 = arith.extui %sign3A_51 : i1 to i32
      %sign3A_53 = arith.subi %sign3A_49, %sign3A_52 : i32
      %ne3A = arith.cmpi ne, %sign3A_46, %sign3A_53 : i32
      %rem3A = arith.remsi %scan3A_39, %jit3A_40 : i32
      %ne3A_54 = arith.constant 0 : i32
      %ne3A_55 = arith.cmpi ne, %rem3A, %ne3A_54 : i32
      %and3A = arith.andi %ne3A, %ne3A_55 : i1
      %sub3A = arith.constant 1 : i32
      %sub3A_56 = arith.subi %div3A, %sub3A : i32
      %select_n3A_57 = arith.select %and3A, %sub3A_56, %div3A : i32
      %jit3A_58 = arith.constant 1 : i32
      %eq3A_59 = arith.constant 0 : i32
      %eq3A_60 = arith.cmpi eq, %jit3A_58, %eq3A_59 : i32
      %jit3A_61 = arith.constant 1 : i32
      %select_n3A_62 = arith.select %eq3A_60, %jit3A_61, %jit3A_58 : i32
      %rem3A_63 = arith.remsi %scan3A_39, %select_n3A_62 : i32
      %ne3A_64 = arith.constant 0 : i32
      %ne3A_65 = arith.cmpi ne, %rem3A_63, %ne3A_64 : i32
      %lt3A = arith.constant 0 : i32
      %lt3A_66 = arith.cmpi slt, %rem3A_63, %lt3A : i32
      %lt3A_67 = arith.constant 0 : i32
      %lt3A_68 = arith.cmpi slt, %select_n3A_62, %lt3A_67 : i32
      %ne3A_69 = arith.xori %lt3A_66, %lt3A_68 : i1
      %and3A_70 = arith.andi %ne3A_69, %ne3A_65 : i1
      %add3A_71 = arith.addi %rem3A_63, %select_n3A_62 : i32
      %select_n3A_72 = arith.select %and3A_70, %add3A_71, %rem3A_63 : i32
      %mul3A_73 = arith.constant 16 : i32
      %mul3A_74 = arith.muli %select_n3A_72, %mul3A_73 : i32
      %swap3A = arith.index_cast %select_n3A_57 : i32 to index
      %swap3A_75 = arith.index_cast %mul3A_74 : i32 to index
      %swap3A_76 = tpu.vector_load %arg6[%swap3A, %swap3A_75] {strides = array<i32>} : memref<128x16xf32, #tpu.memory_space<vmem>>, vector<1x16xf32>,
      %swap3A_77 = vector.shape_cast %swap3A_76 : vector<1x16xf32> to vector<16xf32>
      %swap3A_78 = vector.shape_cast %broadcast_in_dim3A_14 : vector<16xf32> to vector<1x16xf32>
      tpu.vector_store %arg6[%swap3A, %swap3A_75], %swap3A_78 {strides = array<i32>} : memref<128x16xf32, #tpu.memory_space<vmem>>, vector<1x16xf32>,
    }
    %scan3A_20 = arith.constant 128 : i32
    "tpu.region"() ({
      %run_scoped3A = tpu.sem_alloc : memref<!tpu.dma_semaphore, #tpu.memory_space<semaphore_mem>>
      %dma_start3A = arith.constant 0 : i32
      %dma_start3A_39 = arith.constant 0 : i32
      %dma_start3A_40 = tpu.memref_slice %arg2[%add3A, %dma_start3A, %dma_start3A_39] : memref<32x90x128xi32, #tpu.memory_space<hbm>> -> memref<1x90x128xi32, #tpu.memory_space<hbm>>
      %dma_start3A_41 = tpu.memref_squeeze %dma_start3A_40 : memref<1x90x128xi32, #tpu.memory_space<hbm>> -> memref<90x128xi32, #tpu.memory_space<hbm>>
      %dma_start3A_42 = arith.constant 0 : i32
      %dma_start3A_43 = arith.constant 0 : i32
      %dma_start3A_44 = tpu.memref_slice %arg2[%add3A, %dma_start3A_42, %dma_start3A_43] : memref<32x90x128xi32, #tpu.memory_space<hbm>> -> memref<1x90x128xi32, #tpu.memory_space<hbm>>
      %dma_start3A_45 = tpu.memref_squeeze %dma_start3A_44 : memref<1x90x128xi32, #tpu.memory_space<hbm>> -> memref<90x128xi32, #tpu.memory_space<hbm>>
      tpu.enqueue_dma source(%dma_start3A_45 : memref<90x128xi32, #tpu.memory_space<hbm>>) target(%arg5 : memref<90x128xi32, #tpu.memory_space<vmem>>) target_semaphore(%run_scoped3A : memref<!tpu.dma_semaphore, #tpu.memory_space<semaphore_mem>>)
      %dma_wait3A = arith.constant 0 : i32
      %dma_wait3A_46 = arith.constant 0 : i32
      %dma_wait3A_47 = tpu.memref_slice %arg2[%add3A, %dma_wait3A, %dma_wait3A_46] : memref<32x90x128xi32, #tpu.memory_space<hbm>> -> memref<1x90x128xi32, #tpu.memory_space<hbm>>
      %dma_wait3A_48 = tpu.memref_squeeze %dma_wait3A_47 : memref<1x90x128xi32, #tpu.memory_space<hbm>> -> memref<90x128xi32, #tpu.memory_space<hbm>>
      %dma_wait3A_49 = arith.constant 0 : i32
      %dma_wait3A_50 = arith.constant 0 : i32
      %dma_wait3A_51 = tpu.memref_slice %arg2[%add3A, %dma_wait3A_49, %dma_wait3A_50] : memref<32x90x128xi32, #tpu.memory_space<hbm>> -> memref<1x90x128xi32, #tpu.memory_space<hbm>>
      %dma_wait3A_52 = tpu.memref_squeeze %dma_wait3A_51 : memref<1x90x128xi32, #tpu.memory_space<hbm>> -> memref<90x128xi32, #tpu.memory_space<hbm>>
      tpu.wait_dma2 semaphore(%run_scoped3A : memref<!tpu.dma_semaphore, #tpu.memory_space<semaphore_mem>>) src(%dma_wait3A_52 : memref<90x128xi32, #tpu.memory_space<hbm>>) dst(%arg5 : memref<90x128xi32, #tpu.memory_space<vmem>>)
      tpu.yield
    }) : () -> ()
    %eq3A = arith.constant 0 : i32
    %eq3A_21 = arith.cmpi eq, %arg0, %eq3A : i32
    %jit3A = arith.constant 90 : i32
    %jit3A_22 = arith.constant 68 : i32
    %select_n3A = arith.select %eq3A_21, %jit3A, %jit3A_22 : i32
    %barrier3A = arith.constant 0 : index
    tpu.barrier barrier_id(%barrier3A)
    %while3A = arith.constant 0 : i32
    %while3A_23 = arith.constant 0 : i32
    %while3A_24 = arith.subi %select_n3A, %while3A_23 : i32
    %while3A_25 = arith.addi %while3A_23, %while3A_24 : i32
    %while3A_26 = arith.constant 1 : i32
    %while3A_27 = arith.divsi %while3A_24, %while3A_26 : i32
    %while3A_28 = arith.muli %while3A_27, %while3A_26 : i32
    %while3A_29 = arith.addi %while3A_23, %while3A_28 : i32
    %while3A_30 = arith.constant 1 : i32
    scf.for %while3A_39 = %while3A_23 to %while3A_29 step %while3A_30  : i32 {
      "tpu.region"() ({
        %run_scoped3A = tpu.sem_alloc : memref<!tpu.dma_semaphore, #tpu.memory_space<semaphore_mem>>
        %dma_start3A = arith.constant 0 : i32
        %dma_start3A_40 = tpu.memref_slice %arg5[%while3A_39, %dma_start3A] : memref<90x128xi32, #tpu.memory_space<vmem>> -> memref<1x128xi32, #tpu.memory_space<vmem>>
        %dma_start3A_41 = tpu.memref_squeeze %dma_start3A_40 : memref<1x128xi32, #tpu.memory_space<vmem>> -> memref<128xi32, #tpu.memory_space<vmem>>
        %dma_start3A_42 = arith.constant 0 : i32
        %dma_start3A_43 = arith.constant 0 : i32
        %dma_start3A_44 = tpu.memref_slice %arg4[%dma_start3A_42, %dma_start3A_43] : memref<10240x16xf32, #tpu.memory_space<vmem_shared>> -> memref<10240x16xf32, #tpu.memory_space<vmem_shared>>
        tpu.enqueue_indirect_dma source(%arg6 : memref<128x16xf32, #tpu.memory_space<vmem>>) target(%dma_start3A_44 : memref<10240x16xf32, #tpu.memory_space<vmem_shared>>) offsets(%dma_start3A_41 : memref<128xi32, #tpu.memory_space<vmem>>) semaphore(%run_scoped3A : memref<!tpu.dma_semaphore, #tpu.memory_space<semaphore_mem>>) {add = true}
        %dma_wait3A = arith.constant 0 : i32
        %dma_wait3A_45 = tpu.memref_slice %arg5[%while3A_39, %dma_wait3A] : memref<90x128xi32, #tpu.memory_space<vmem>> -> memref<1x128xi32, #tpu.memory_space<vmem>>
        %dma_wait3A_46 = tpu.memref_squeeze %dma_wait3A_45 : memref<1x128xi32, #tpu.memory_space<vmem>> -> memref<128xi32, #tpu.memory_space<vmem>>
        %dma_wait3A_47 = arith.constant 0 : i32
        %dma_wait3A_48 = arith.constant 0 : i32
        %dma_wait3A_49 = tpu.memref_slice %arg4[%dma_wait3A_47, %dma_wait3A_48] : memref<10240x16xf32, #tpu.memory_space<vmem_shared>> -> memref<10240x16xf32, #tpu.memory_space<vmem_shared>>
        tpu.wait_indirect_dma semaphore(%run_scoped3A : memref<!tpu.dma_semaphore, #tpu.memory_space<semaphore_mem>>) src(%arg6 : memref<128x16xf32, #tpu.memory_space<vmem>>) dst(%dma_wait3A_49 : memref<10240x16xf32, #tpu.memory_space<vmem_shared>>)
        tpu.yield
      }) : () -> ()
    }
    %while3A_31 = arith.constant 1 : i32
    scf.for %while3A_39 = %while3A_29 to %while3A_25 step %while3A_31  : i32 {
      "tpu.region"() ({
        %run_scoped3A = tpu.sem_alloc : memref<!tpu.dma_semaphore, #tpu.memory_space<semaphore_mem>>
        %dma_start3A = arith.constant 0 : i32
        %dma_start3A_40 = tpu.memref_slice %arg5[%while3A_39, %dma_start3A] : memref<90x128xi32, #tpu.memory_space<vmem>> -> memref<1x128xi32, #tpu.memory_space<vmem>>
        %dma_start3A_41 = tpu.memref_squeeze %dma_start3A_40 : memref<1x128xi32, #tpu.memory_space<vmem>> -> memref<128xi32, #tpu.memory_space<vmem>>
        %dma_start3A_42 = arith.constant 0 : i32
        %dma_start3A_43 = arith.constant 0 : i32
        %dma_start3A_44 = tpu.memref_slice %arg4[%dma_start3A_42, %dma_start3A_43] : memref<10240x16xf32, #tpu.memory_space<vmem_shared>> -> memref<10240x16xf32, #tpu.memory_space<vmem_shared>>
        tpu.enqueue_indirect_dma source(%arg6 : memref<128x16xf32, #tpu.memory_space<vmem>>) target(%dma_start3A_44 : memref<10240x16xf32, #tpu.memory_space<vmem_shared>>) offsets(%dma_start3A_41 : memref<128xi32, #tpu.memory_space<vmem>>) semaphore(%run_scoped3A : memref<!tpu.dma_semaphore, #tpu.memory_space<semaphore_mem>>) {add = true}
        %dma_wait3A = arith.constant 0 : i32
        %dma_wait3A_45 = tpu.memref_slice %arg5[%while3A_39, %dma_wait3A] : memref<90x128xi32, #tpu.memory_space<vmem>> -> memref<1x128xi32, #tpu.memory_space<vmem>>
        %dma_wait3A_46 = tpu.memref_squeeze %dma_wait3A_45 : memref<1x128xi32, #tpu.memory_space<vmem>> -> memref<128xi32, #tpu.memory_space<vmem>>
        %dma_wait3A_47 = arith.constant 0 : i32
        %dma_wait3A_48 = arith.constant 0 : i32
        %dma_wait3A_49 = tpu.memref_slice %arg4[%dma_wait3A_47, %dma_wait3A_48] : memref<10240x16xf32, #tpu.memory_space<vmem_shared>> -> memref<10240x16xf32, #tpu.memory_space<vmem_shared>>
        tpu.wait_indirect_dma semaphore(%run_scoped3A : memref<!tpu.dma_semaphore, #tpu.memory_space<semaphore_mem>>) src(%arg6 : memref<128x16xf32, #tpu.memory_space<vmem>>) dst(%dma_wait3A_49 : memref<10240x16xf32, #tpu.memory_space<vmem_shared>>)
        tpu.yield
      }) : () -> ()
    }
    %barrier3A_32 = arith.constant 0 : index
    tpu.barrier barrier_id(%barrier3A_32)
    %scan3A_33 = arith.constant 0 : i32
    %scan3A_34 = arith.constant 0 : i32
    %scan3A_35 = arith.constant 5 : i32
    %scan3A_36 = arith.addi %scan3A_34, %scan3A_35 : i32
    %scan3A_37 = arith.constant 1 : i32
    scf.for %scan3A_39 = %scan3A_34 to %scan3A_36 step %scan3A_37  : i32 {
      %mul3A_40 = arith.constant 640 : i32
      %mul3A_41 = arith.muli %arg1, %mul3A_40 : i32
      %mul3A_42 = arith.constant 128 : i32
      %mul3A_43 = arith.muli %scan3A_39, %mul3A_42 : i32
      %add3A_44 = arith.addi %mul3A_41, %mul3A_43 : i32
      %mul3A_45 = arith.constant 16 : i32
      %mul3A_46 = arith.muli %arg0, %mul3A_45 : i32
      "tpu.region"() ({
        %run_scoped3A = tpu.sem_alloc : memref<!tpu.dma_semaphore, #tpu.memory_space<semaphore_mem>>
        %dma_start3A = tpu.memref_slice %arg3[%add3A_44, %mul3A_46] : memref<10240x32xf32, #tpu.memory_space<hbm>> -> memref<128x16xf32, #tpu.memory_space<hbm>>
        %dma_start3A_47 = arith.constant 0 : i32
        %dma_start3A_48 = tpu.memref_slice %arg4[%add3A_44, %dma_start3A_47] : memref<10240x16xf32, #tpu.memory_space<vmem_shared>> -> memref<128x16xf32, #tpu.memory_space<vmem_shared>>
        tpu.enqueue_dma source(%dma_start3A_48 : memref<128x16xf32, #tpu.memory_space<vmem_shared>>) target(%dma_start3A : memref<128x16xf32, #tpu.memory_space<hbm>>) target_semaphore(%run_scoped3A : memref<!tpu.dma_semaphore, #tpu.memory_space<semaphore_mem>>)
        %dma_wait3A = tpu.memref_slice %arg3[%add3A_44, %mul3A_46] : memref<10240x32xf32, #tpu.memory_space<hbm>> -> memref<128x16xf32, #tpu.memory_space<hbm>>
        %dma_wait3A_49 = arith.constant 0 : i32
        %dma_wait3A_50 = tpu.memref_slice %arg4[%add3A_44, %dma_wait3A_49] : memref<10240x16xf32, #tpu.memory_space<vmem_shared>> -> memref<128x16xf32, #tpu.memory_space<vmem_shared>>
        tpu.wait_dma2 semaphore(%run_scoped3A : memref<!tpu.dma_semaphore, #tpu.memory_space<semaphore_mem>>) src(%dma_wait3A_50 : memref<128x16xf32, #tpu.memory_space<vmem_shared>>) dst(%dma_wait3A : memref<128x16xf32, #tpu.memory_space<hbm>>)
        tpu.yield
      }) : () -> ()
    }
    %scan3A_38 = arith.constant 5 : i32
    return
  }
}

#map = affine_map<(d0, d1) -> (0, 0)>
#map1 = affine_map<(d0, d1) -> (0, 0, 0)>
module attributes {stable_mosaic.version = 14 : i64} {
  func.func @_prop_body(%arg0: i32, %arg1: i32, %arg2: memref<10240x64xf32, #tpu.memory_space<hbm>>, %arg3: memref<32x90x128xi32, #tpu.memory_space<hbm>>, %arg4: memref<32x90x128xi32, #tpu.memory_space<hbm>>, %arg5: memref<10240x128xf32, #tpu.memory_space<hbm>>, %arg6: memref<10240x64xf32, #tpu.memory_space<vmem_shared>>, %arg7: memref<90x128xi32, #tpu.memory_space<vmem>>, %arg8: memref<90x128xi32, #tpu.memory_space<vmem>>, %arg9: memref<128x64xf32, #tpu.memory_space<vmem>>, %arg10: memref<!tpu.dma_semaphore, #tpu.memory_space<semaphore_mem>>) attributes {dimension_semantics = [#tpu.dimension_semantics<core_parallel>, #tpu.dimension_semantics<subcore_parallel>], iteration_bounds = array<i64: 2, 16>, scalar_prefetch = 0 : i64, scratch_operands = 5 : i64, tpu.core_type = #tpu.core_type<sc_vector_subcore>, window_params = [{transform_indices = #map}, {transform_indices = #map1}, {transform_indices = #map1}, {transform_indices = #map}]} {
    %mul3A = arith.constant 2 : i32
    %mul3A_0 = arith.muli %arg1, %mul3A : i32
    %add3A = arith.addi %mul3A_0, %arg0 : i32
    %broadcast_in_dim3A = arith.constant 0.000000e+00 : f32
    %broadcast_in_dim3A_1 = vector.broadcast %broadcast_in_dim3A : f32 to vector<16xf32>
    %scan3A = arith.constant 0 : i32
    %scan3A_2 = arith.constant 0 : i32
    %scan3A_3 = arith.constant 512 : i32
    %scan3A_4 = arith.addi %scan3A_2, %scan3A_3 : i32
    %scan3A_5 = arith.constant 1 : i32
    scf.for %scan3A_31 = %scan3A_2 to %scan3A_4 step %scan3A_5  : i32 {
      %jit3A_32 = arith.constant 4 : i32
      %div3A = arith.divsi %scan3A_31, %jit3A_32 : i32
      %sign3A = arith.constant 0 : i32
      %sign3A_33 = arith.cmpi sgt, %scan3A_31, %sign3A : i32
      %sign3A_34 = arith.extui %sign3A_33 : i1 to i32
      %sign3A_35 = arith.constant 0 : i32
      %sign3A_36 = arith.cmpi slt, %scan3A_31, %sign3A_35 : i32
      %sign3A_37 = arith.extui %sign3A_36 : i1 to i32
      %sign3A_38 = arith.subi %sign3A_34, %sign3A_37 : i32
      %sign3A_39 = arith.constant 0 : i32
      %sign3A_40 = arith.cmpi sgt, %jit3A_32, %sign3A_39 : i32
      %sign3A_41 = arith.extui %sign3A_40 : i1 to i32
      %sign3A_42 = arith.constant 0 : i32
      %sign3A_43 = arith.cmpi slt, %jit3A_32, %sign3A_42 : i32
      %sign3A_44 = arith.extui %sign3A_43 : i1 to i32
      %sign3A_45 = arith.subi %sign3A_41, %sign3A_44 : i32
      %ne3A = arith.cmpi ne, %sign3A_38, %sign3A_45 : i32
      %rem3A = arith.remsi %scan3A_31, %jit3A_32 : i32
      %ne3A_46 = arith.constant 0 : i32
      %ne3A_47 = arith.cmpi ne, %rem3A, %ne3A_46 : i32
      %and3A = arith.andi %ne3A, %ne3A_47 : i1
      %sub3A = arith.constant 1 : i32
      %sub3A_48 = arith.subi %div3A, %sub3A : i32
      %select_n3A_49 = arith.select %and3A, %sub3A_48, %div3A : i32
      %jit3A_50 = arith.constant 4 : i32
      %eq3A_51 = arith.constant 0 : i32
      %eq3A_52 = arith.cmpi eq, %jit3A_50, %eq3A_51 : i32
      %jit3A_53 = arith.constant 1 : i32
      %select_n3A_54 = arith.select %eq3A_52, %jit3A_53, %jit3A_50 : i32
      %rem3A_55 = arith.remsi %scan3A_31, %select_n3A_54 : i32
      %ne3A_56 = arith.constant 0 : i32
      %ne3A_57 = arith.cmpi ne, %rem3A_55, %ne3A_56 : i32
      %lt3A = arith.constant 0 : i32
      %lt3A_58 = arith.cmpi slt, %rem3A_55, %lt3A : i32
      %lt3A_59 = arith.constant 0 : i32
      %lt3A_60 = arith.cmpi slt, %select_n3A_54, %lt3A_59 : i32
      %ne3A_61 = arith.xori %lt3A_58, %lt3A_60 : i1
      %and3A_62 = arith.andi %ne3A_61, %ne3A_57 : i1
      %add3A_63 = arith.addi %rem3A_55, %select_n3A_54 : i32
      %select_n3A_64 = arith.select %and3A_62, %add3A_63, %rem3A_55 : i32
      %mul3A_65 = arith.constant 16 : i32
      %mul3A_66 = arith.muli %select_n3A_64, %mul3A_65 : i32
      %swap3A = arith.index_cast %select_n3A_49 : i32 to index
      %swap3A_67 = arith.index_cast %mul3A_66 : i32 to index
      %swap3A_68 = tpu.vector_load %arg9[%swap3A, %swap3A_67] {strides = array<i32>} : memref<128x64xf32, #tpu.memory_space<vmem>>, vector<1x16xf32>,
      %swap3A_69 = vector.shape_cast %swap3A_68 : vector<1x16xf32> to vector<16xf32>
      %swap3A_70 = vector.shape_cast %broadcast_in_dim3A_1 : vector<16xf32> to vector<1x16xf32>
      tpu.vector_store %arg9[%swap3A, %swap3A_67], %swap3A_70 {strides = array<i32>} : memref<128x64xf32, #tpu.memory_space<vmem>>, vector<1x16xf32>,
    }
    %scan3A_6 = arith.constant 512 : i32
    %scan3A_7 = arith.constant 0 : i32
    %scan3A_8 = arith.constant 0 : i32
    %scan3A_9 = arith.constant 5 : i32
    %scan3A_10 = arith.addi %scan3A_8, %scan3A_9 : i32
    %scan3A_11 = arith.constant 1 : i32
    scf.for %scan3A_31 = %scan3A_8 to %scan3A_10 step %scan3A_11  : i32 {
      %mul3A_32 = arith.constant 640 : i32
      %mul3A_33 = arith.muli %arg1, %mul3A_32 : i32
      %mul3A_34 = arith.constant 128 : i32
      %mul3A_35 = arith.muli %scan3A_31, %mul3A_34 : i32
      %add3A_36 = arith.addi %mul3A_33, %mul3A_35 : i32
      "tpu.region"() ({
        %run_scoped3A = tpu.sem_alloc : memref<!tpu.dma_semaphore, #tpu.memory_space<semaphore_mem>>
        %dma_start3A = arith.constant 0 : i32
        %dma_start3A_37 = tpu.memref_slice %arg6[%add3A_36, %dma_start3A] : memref<10240x64xf32, #tpu.memory_space<vmem_shared>> -> memref<128x64xf32, #tpu.memory_space<vmem_shared>>
        %dma_start3A_38 = arith.constant 0 : i32
        %dma_start3A_39 = tpu.memref_slice %arg6[%add3A_36, %dma_start3A_38] : memref<10240x64xf32, #tpu.memory_space<vmem_shared>> -> memref<128x64xf32, #tpu.memory_space<vmem_shared>>
        tpu.enqueue_dma source(%arg9 : memref<128x64xf32, #tpu.memory_space<vmem>>) target(%dma_start3A_39 : memref<128x64xf32, #tpu.memory_space<vmem_shared>>) target_semaphore(%run_scoped3A : memref<!tpu.dma_semaphore, #tpu.memory_space<semaphore_mem>>)
        %dma_wait3A = arith.constant 0 : i32
        %dma_wait3A_40 = tpu.memref_slice %arg6[%add3A_36, %dma_wait3A] : memref<10240x64xf32, #tpu.memory_space<vmem_shared>> -> memref<128x64xf32, #tpu.memory_space<vmem_shared>>
        %dma_wait3A_41 = arith.constant 0 : i32
        %dma_wait3A_42 = tpu.memref_slice %arg6[%add3A_36, %dma_wait3A_41] : memref<10240x64xf32, #tpu.memory_space<vmem_shared>> -> memref<128x64xf32, #tpu.memory_space<vmem_shared>>
        tpu.wait_dma2 semaphore(%run_scoped3A : memref<!tpu.dma_semaphore, #tpu.memory_space<semaphore_mem>>) src(%arg9 : memref<128x64xf32, #tpu.memory_space<vmem>>) dst(%dma_wait3A_42 : memref<128x64xf32, #tpu.memory_space<vmem_shared>>)
        tpu.yield
      }) : () -> ()
    }
    %scan3A_12 = arith.constant 5 : i32
    "tpu.region"() ({
      %run_scoped3A = tpu.sem_alloc : memref<!tpu.dma_semaphore, #tpu.memory_space<semaphore_mem>>
      %dma_start3A = arith.constant 0 : i32
      %dma_start3A_31 = arith.constant 0 : i32
      %dma_start3A_32 = tpu.memref_slice %arg3[%add3A, %dma_start3A, %dma_start3A_31] : memref<32x90x128xi32, #tpu.memory_space<hbm>> -> memref<1x90x128xi32, #tpu.memory_space<hbm>>
      %dma_start3A_33 = tpu.memref_squeeze %dma_start3A_32 : memref<1x90x128xi32, #tpu.memory_space<hbm>> -> memref<90x128xi32, #tpu.memory_space<hbm>>
      %dma_start3A_34 = arith.constant 0 : i32
      %dma_start3A_35 = arith.constant 0 : i32
      %dma_start3A_36 = tpu.memref_slice %arg3[%add3A, %dma_start3A_34, %dma_start3A_35] : memref<32x90x128xi32, #tpu.memory_space<hbm>> -> memref<1x90x128xi32, #tpu.memory_space<hbm>>
      %dma_start3A_37 = tpu.memref_squeeze %dma_start3A_36 : memref<1x90x128xi32, #tpu.memory_space<hbm>> -> memref<90x128xi32, #tpu.memory_space<hbm>>
      tpu.enqueue_dma source(%dma_start3A_37 : memref<90x128xi32, #tpu.memory_space<hbm>>) target(%arg7 : memref<90x128xi32, #tpu.memory_space<vmem>>) target_semaphore(%run_scoped3A : memref<!tpu.dma_semaphore, #tpu.memory_space<semaphore_mem>>)
      %dma_wait3A = arith.constant 0 : i32
      %dma_wait3A_38 = arith.constant 0 : i32
      %dma_wait3A_39 = tpu.memref_slice %arg3[%add3A, %dma_wait3A, %dma_wait3A_38] : memref<32x90x128xi32, #tpu.memory_space<hbm>> -> memref<1x90x128xi32, #tpu.memory_space<hbm>>
      %dma_wait3A_40 = tpu.memref_squeeze %dma_wait3A_39 : memref<1x90x128xi32, #tpu.memory_space<hbm>> -> memref<90x128xi32, #tpu.memory_space<hbm>>
      %dma_wait3A_41 = arith.constant 0 : i32
      %dma_wait3A_42 = arith.constant 0 : i32
      %dma_wait3A_43 = tpu.memref_slice %arg3[%add3A, %dma_wait3A_41, %dma_wait3A_42] : memref<32x90x128xi32, #tpu.memory_space<hbm>> -> memref<1x90x128xi32, #tpu.memory_space<hbm>>
      %dma_wait3A_44 = tpu.memref_squeeze %dma_wait3A_43 : memref<1x90x128xi32, #tpu.memory_space<hbm>> -> memref<90x128xi32, #tpu.memory_space<hbm>>
      tpu.wait_dma2 semaphore(%run_scoped3A : memref<!tpu.dma_semaphore, #tpu.memory_space<semaphore_mem>>) src(%dma_wait3A_44 : memref<90x128xi32, #tpu.memory_space<hbm>>) dst(%arg7 : memref<90x128xi32, #tpu.memory_space<vmem>>)
      tpu.yield
    }) : () -> ()
    "tpu.region"() ({
      %run_scoped3A = tpu.sem_alloc : memref<!tpu.dma_semaphore, #tpu.memory_space<semaphore_mem>>
      %dma_start3A = arith.constant 0 : i32
      %dma_start3A_31 = arith.constant 0 : i32
      %dma_start3A_32 = tpu.memref_slice %arg4[%add3A, %dma_start3A, %dma_start3A_31] : memref<32x90x128xi32, #tpu.memory_space<hbm>> -> memref<1x90x128xi32, #tpu.memory_space<hbm>>
      %dma_start3A_33 = tpu.memref_squeeze %dma_start3A_32 : memref<1x90x128xi32, #tpu.memory_space<hbm>> -> memref<90x128xi32, #tpu.memory_space<hbm>>
      %dma_start3A_34 = arith.constant 0 : i32
      %dma_start3A_35 = arith.constant 0 : i32
      %dma_start3A_36 = tpu.memref_slice %arg4[%add3A, %dma_start3A_34, %dma_start3A_35] : memref<32x90x128xi32, #tpu.memory_space<hbm>> -> memref<1x90x128xi32, #tpu.memory_space<hbm>>
      %dma_start3A_37 = tpu.memref_squeeze %dma_start3A_36 : memref<1x90x128xi32, #tpu.memory_space<hbm>> -> memref<90x128xi32, #tpu.memory_space<hbm>>
      tpu.enqueue_dma source(%dma_start3A_37 : memref<90x128xi32, #tpu.memory_space<hbm>>) target(%arg8 : memref<90x128xi32, #tpu.memory_space<vmem>>) target_semaphore(%run_scoped3A : memref<!tpu.dma_semaphore, #tpu.memory_space<semaphore_mem>>)
      %dma_wait3A = arith.constant 0 : i32
      %dma_wait3A_38 = arith.constant 0 : i32
      %dma_wait3A_39 = tpu.memref_slice %arg4[%add3A, %dma_wait3A, %dma_wait3A_38] : memref<32x90x128xi32, #tpu.memory_space<hbm>> -> memref<1x90x128xi32, #tpu.memory_space<hbm>>
      %dma_wait3A_40 = tpu.memref_squeeze %dma_wait3A_39 : memref<1x90x128xi32, #tpu.memory_space<hbm>> -> memref<90x128xi32, #tpu.memory_space<hbm>>
      %dma_wait3A_41 = arith.constant 0 : i32
      %dma_wait3A_42 = arith.constant 0 : i32
      %dma_wait3A_43 = tpu.memref_slice %arg4[%add3A, %dma_wait3A_41, %dma_wait3A_42] : memref<32x90x128xi32, #tpu.memory_space<hbm>> -> memref<1x90x128xi32, #tpu.memory_space<hbm>>
      %dma_wait3A_44 = tpu.memref_squeeze %dma_wait3A_43 : memref<1x90x128xi32, #tpu.memory_space<hbm>> -> memref<90x128xi32, #tpu.memory_space<hbm>>
      tpu.wait_dma2 semaphore(%run_scoped3A : memref<!tpu.dma_semaphore, #tpu.memory_space<semaphore_mem>>) src(%dma_wait3A_44 : memref<90x128xi32, #tpu.memory_space<hbm>>) dst(%arg8 : memref<90x128xi32, #tpu.memory_space<vmem>>)
      tpu.yield
    }) : () -> ()
    %eq3A = arith.constant 0 : i32
    %eq3A_13 = arith.cmpi eq, %arg0, %eq3A : i32
    %jit3A = arith.constant 90 : i32
    %jit3A_14 = arith.constant 68 : i32
    %select_n3A = arith.select %eq3A_13, %jit3A, %jit3A_14 : i32
    %barrier3A = arith.constant 0 : index
    tpu.barrier barrier_id(%barrier3A)
    %while3A = arith.constant 0 : i32
    %while3A_15 = arith.constant 0 : i32
    %while3A_16 = arith.subi %select_n3A, %while3A_15 : i32
    %while3A_17 = arith.addi %while3A_15, %while3A_16 : i32
    %while3A_18 = arith.constant 1 : i32
    %while3A_19 = arith.divsi %while3A_16, %while3A_18 : i32
    %while3A_20 = arith.muli %while3A_19, %while3A_18 : i32
    %while3A_21 = arith.addi %while3A_15, %while3A_20 : i32
    %while3A_22 = arith.constant 1 : i32
    scf.for %while3A_31 = %while3A_15 to %while3A_21 step %while3A_22  : i32 {
      %dma_start3A = arith.constant 0 : i32
      %dma_start3A_32 = tpu.memref_slice %arg7[%while3A_31, %dma_start3A] : memref<90x128xi32, #tpu.memory_space<vmem>> -> memref<1x128xi32, #tpu.memory_space<vmem>>
      %dma_start3A_33 = tpu.memref_squeeze %dma_start3A_32 : memref<1x128xi32, #tpu.memory_space<vmem>> -> memref<128xi32, #tpu.memory_space<vmem>>
      %dma_start3A_34 = arith.constant 0 : i32
      %dma_start3A_35 = arith.constant 0 : i32
      %dma_start3A_36 = tpu.memref_slice %arg2[%dma_start3A_34, %dma_start3A_35] : memref<10240x64xf32, #tpu.memory_space<hbm>> -> memref<10240x64xf32, #tpu.memory_space<hbm>>
      tpu.enqueue_indirect_dma source(%dma_start3A_36 : memref<10240x64xf32, #tpu.memory_space<hbm>>) target(%arg9 : memref<128x64xf32, #tpu.memory_space<vmem>>) offsets(%dma_start3A_33 : memref<128xi32, #tpu.memory_space<vmem>>) semaphore(%arg10 : memref<!tpu.dma_semaphore, #tpu.memory_space<semaphore_mem>>)
      %dma_wait3A = arith.constant 0 : i32
      %dma_wait3A_37 = tpu.memref_slice %arg7[%while3A_31, %dma_wait3A] : memref<90x128xi32, #tpu.memory_space<vmem>> -> memref<1x128xi32, #tpu.memory_space<vmem>>
      %dma_wait3A_38 = tpu.memref_squeeze %dma_wait3A_37 : memref<1x128xi32, #tpu.memory_space<vmem>> -> memref<128xi32, #tpu.memory_space<vmem>>
      %dma_wait3A_39 = arith.constant 0 : i32
      %dma_wait3A_40 = arith.constant 0 : i32
      %dma_wait3A_41 = tpu.memref_slice %arg2[%dma_wait3A_39, %dma_wait3A_40] : memref<10240x64xf32, #tpu.memory_space<hbm>> -> memref<10240x64xf32, #tpu.memory_space<hbm>>
      tpu.wait_indirect_dma semaphore(%arg10 : memref<!tpu.dma_semaphore, #tpu.memory_space<semaphore_mem>>) src(%dma_wait3A_41 : memref<10240x64xf32, #tpu.memory_space<hbm>>) dst(%arg9 : memref<128x64xf32, #tpu.memory_space<vmem>>)
      "tpu.region"() ({
        %run_scoped3A = tpu.sem_alloc : memref<!tpu.dma_semaphore, #tpu.memory_space<semaphore_mem>>
        %dma_start3A_42 = arith.constant 0 : i32
        %dma_start3A_43 = tpu.memref_slice %arg8[%while3A_31, %dma_start3A_42] : memref<90x128xi32, #tpu.memory_space<vmem>> -> memref<1x128xi32, #tpu.memory_space<vmem>>
        %dma_start3A_44 = tpu.memref_squeeze %dma_start3A_43 : memref<1x128xi32, #tpu.memory_space<vmem>> -> memref<128xi32, #tpu.memory_space<vmem>>
        %dma_start3A_45 = arith.constant 0 : i32
        %dma_start3A_46 = arith.constant 0 : i32
        %dma_start3A_47 = tpu.memref_slice %arg6[%dma_start3A_45, %dma_start3A_46] : memref<10240x64xf32, #tpu.memory_space<vmem_shared>> -> memref<10240x64xf32, #tpu.memory_space<vmem_shared>>
        tpu.enqueue_indirect_dma source(%arg9 : memref<128x64xf32, #tpu.memory_space<vmem>>) target(%dma_start3A_47 : memref<10240x64xf32, #tpu.memory_space<vmem_shared>>) offsets(%dma_start3A_44 : memref<128xi32, #tpu.memory_space<vmem>>) semaphore(%run_scoped3A : memref<!tpu.dma_semaphore, #tpu.memory_space<semaphore_mem>>) {add = true}
        %dma_wait3A_48 = arith.constant 0 : i32
        %dma_wait3A_49 = tpu.memref_slice %arg8[%while3A_31, %dma_wait3A_48] : memref<90x128xi32, #tpu.memory_space<vmem>> -> memref<1x128xi32, #tpu.memory_space<vmem>>
        %dma_wait3A_50 = tpu.memref_squeeze %dma_wait3A_49 : memref<1x128xi32, #tpu.memory_space<vmem>> -> memref<128xi32, #tpu.memory_space<vmem>>
        %dma_wait3A_51 = arith.constant 0 : i32
        %dma_wait3A_52 = arith.constant 0 : i32
        %dma_wait3A_53 = tpu.memref_slice %arg6[%dma_wait3A_51, %dma_wait3A_52] : memref<10240x64xf32, #tpu.memory_space<vmem_shared>> -> memref<10240x64xf32, #tpu.memory_space<vmem_shared>>
        tpu.wait_indirect_dma semaphore(%run_scoped3A : memref<!tpu.dma_semaphore, #tpu.memory_space<semaphore_mem>>) src(%arg9 : memref<128x64xf32, #tpu.memory_space<vmem>>) dst(%dma_wait3A_53 : memref<10240x64xf32, #tpu.memory_space<vmem_shared>>)
        tpu.yield
      }) : () -> ()
    }
    %while3A_23 = arith.constant 1 : i32
    scf.for %while3A_31 = %while3A_21 to %while3A_17 step %while3A_23  : i32 {
      %dma_start3A = arith.constant 0 : i32
      %dma_start3A_32 = tpu.memref_slice %arg7[%while3A_31, %dma_start3A] : memref<90x128xi32, #tpu.memory_space<vmem>> -> memref<1x128xi32, #tpu.memory_space<vmem>>
      %dma_start3A_33 = tpu.memref_squeeze %dma_start3A_32 : memref<1x128xi32, #tpu.memory_space<vmem>> -> memref<128xi32, #tpu.memory_space<vmem>>
      %dma_start3A_34 = arith.constant 0 : i32
      %dma_start3A_35 = arith.constant 0 : i32
      %dma_start3A_36 = tpu.memref_slice %arg2[%dma_start3A_34, %dma_start3A_35] : memref<10240x64xf32, #tpu.memory_space<hbm>> -> memref<10240x64xf32, #tpu.memory_space<hbm>>
      tpu.enqueue_indirect_dma source(%dma_start3A_36 : memref<10240x64xf32, #tpu.memory_space<hbm>>) target(%arg9 : memref<128x64xf32, #tpu.memory_space<vmem>>) offsets(%dma_start3A_33 : memref<128xi32, #tpu.memory_space<vmem>>) semaphore(%arg10 : memref<!tpu.dma_semaphore, #tpu.memory_space<semaphore_mem>>)
      %dma_wait3A = arith.constant 0 : i32
      %dma_wait3A_37 = tpu.memref_slice %arg7[%while3A_31, %dma_wait3A] : memref<90x128xi32, #tpu.memory_space<vmem>> -> memref<1x128xi32, #tpu.memory_space<vmem>>
      %dma_wait3A_38 = tpu.memref_squeeze %dma_wait3A_37 : memref<1x128xi32, #tpu.memory_space<vmem>> -> memref<128xi32, #tpu.memory_space<vmem>>
      %dma_wait3A_39 = arith.constant 0 : i32
      %dma_wait3A_40 = arith.constant 0 : i32
      %dma_wait3A_41 = tpu.memref_slice %arg2[%dma_wait3A_39, %dma_wait3A_40] : memref<10240x64xf32, #tpu.memory_space<hbm>> -> memref<10240x64xf32, #tpu.memory_space<hbm>>
      tpu.wait_indirect_dma semaphore(%arg10 : memref<!tpu.dma_semaphore, #tpu.memory_space<semaphore_mem>>) src(%dma_wait3A_41 : memref<10240x64xf32, #tpu.memory_space<hbm>>) dst(%arg9 : memref<128x64xf32, #tpu.memory_space<vmem>>)
      "tpu.region"() ({
        %run_scoped3A = tpu.sem_alloc : memref<!tpu.dma_semaphore, #tpu.memory_space<semaphore_mem>>
        %dma_start3A_42 = arith.constant 0 : i32
        %dma_start3A_43 = tpu.memref_slice %arg8[%while3A_31, %dma_start3A_42] : memref<90x128xi32, #tpu.memory_space<vmem>> -> memref<1x128xi32, #tpu.memory_space<vmem>>
        %dma_start3A_44 = tpu.memref_squeeze %dma_start3A_43 : memref<1x128xi32, #tpu.memory_space<vmem>> -> memref<128xi32, #tpu.memory_space<vmem>>
        %dma_start3A_45 = arith.constant 0 : i32
        %dma_start3A_46 = arith.constant 0 : i32
        %dma_start3A_47 = tpu.memref_slice %arg6[%dma_start3A_45, %dma_start3A_46] : memref<10240x64xf32, #tpu.memory_space<vmem_shared>> -> memref<10240x64xf32, #tpu.memory_space<vmem_shared>>
        tpu.enqueue_indirect_dma source(%arg9 : memref<128x64xf32, #tpu.memory_space<vmem>>) target(%dma_start3A_47 : memref<10240x64xf32, #tpu.memory_space<vmem_shared>>) offsets(%dma_start3A_44 : memref<128xi32, #tpu.memory_space<vmem>>) semaphore(%run_scoped3A : memref<!tpu.dma_semaphore, #tpu.memory_space<semaphore_mem>>) {add = true}
        %dma_wait3A_48 = arith.constant 0 : i32
        %dma_wait3A_49 = tpu.memref_slice %arg8[%while3A_31, %dma_wait3A_48] : memref<90x128xi32, #tpu.memory_space<vmem>> -> memref<1x128xi32, #tpu.memory_space<vmem>>
        %dma_wait3A_50 = tpu.memref_squeeze %dma_wait3A_49 : memref<1x128xi32, #tpu.memory_space<vmem>> -> memref<128xi32, #tpu.memory_space<vmem>>
        %dma_wait3A_51 = arith.constant 0 : i32
        %dma_wait3A_52 = arith.constant 0 : i32
        %dma_wait3A_53 = tpu.memref_slice %arg6[%dma_wait3A_51, %dma_wait3A_52] : memref<10240x64xf32, #tpu.memory_space<vmem_shared>> -> memref<10240x64xf32, #tpu.memory_space<vmem_shared>>
        tpu.wait_indirect_dma semaphore(%run_scoped3A : memref<!tpu.dma_semaphore, #tpu.memory_space<semaphore_mem>>) src(%arg9 : memref<128x64xf32, #tpu.memory_space<vmem>>) dst(%dma_wait3A_53 : memref<10240x64xf32, #tpu.memory_space<vmem_shared>>)
        tpu.yield
      }) : () -> ()
    }
    %barrier3A_24 = arith.constant 0 : index
    tpu.barrier barrier_id(%barrier3A_24)
    %scan3A_25 = arith.constant 0 : i32
    %scan3A_26 = arith.constant 0 : i32
    %scan3A_27 = arith.constant 5 : i32
    %scan3A_28 = arith.addi %scan3A_26, %scan3A_27 : i32
    %scan3A_29 = arith.constant 1 : i32
    scf.for %scan3A_31 = %scan3A_26 to %scan3A_28 step %scan3A_29  : i32 {
      %mul3A_32 = arith.constant 640 : i32
      %mul3A_33 = arith.muli %arg1, %mul3A_32 : i32
      %mul3A_34 = arith.constant 128 : i32
      %mul3A_35 = arith.muli %scan3A_31, %mul3A_34 : i32
      %add3A_36 = arith.addi %mul3A_33, %mul3A_35 : i32
      %mul3A_37 = arith.constant 64 : i32
      %mul3A_38 = arith.muli %arg0, %mul3A_37 : i32
      "tpu.region"() ({
        %run_scoped3A = tpu.sem_alloc : memref<!tpu.dma_semaphore, #tpu.memory_space<semaphore_mem>>
        %dma_start3A = tpu.memref_slice %arg5[%add3A_36, %mul3A_38] : memref<10240x128xf32, #tpu.memory_space<hbm>> -> memref<128x64xf32, #tpu.memory_space<hbm>>
        %dma_start3A_39 = arith.constant 0 : i32
        %dma_start3A_40 = tpu.memref_slice %arg6[%add3A_36, %dma_start3A_39] : memref<10240x64xf32, #tpu.memory_space<vmem_shared>> -> memref<128x64xf32, #tpu.memory_space<vmem_shared>>
        tpu.enqueue_dma source(%dma_start3A_40 : memref<128x64xf32, #tpu.memory_space<vmem_shared>>) target(%dma_start3A : memref<128x64xf32, #tpu.memory_space<hbm>>) target_semaphore(%run_scoped3A : memref<!tpu.dma_semaphore, #tpu.memory_space<semaphore_mem>>)
        %dma_wait3A = tpu.memref_slice %arg5[%add3A_36, %mul3A_38] : memref<10240x128xf32, #tpu.memory_space<hbm>> -> memref<128x64xf32, #tpu.memory_space<hbm>>
        %dma_wait3A_41 = arith.constant 0 : i32
        %dma_wait3A_42 = tpu.memref_slice %arg6[%add3A_36, %dma_wait3A_41] : memref<10240x64xf32, #tpu.memory_space<vmem_shared>> -> memref<128x64xf32, #tpu.memory_space<vmem_shared>>
        tpu.wait_dma2 semaphore(%run_scoped3A : memref<!tpu.dma_semaphore, #tpu.memory_space<semaphore_mem>>) src(%dma_wait3A_42 : memref<128x64xf32, #tpu.memory_space<vmem_shared>>) dst(%dma_wait3A : memref<128x64xf32, #tpu.memory_space<hbm>>)
        tpu.yield
      }) : () -> ()
    }
    %scan3A_30 = arith.constant 5 : i32
    return
  }
}

module attributes {stable_mosaic.version = 14 : i64} {
  func.func @_tc_xw_body(%arg0: memref<10240x128xf32, #tpu.memory_space<vmem>>, %arg1: memref<128x64xf32, #tpu.memory_space<vmem>>, %arg2: memref<10240x64xf32, #tpu.memory_space<vmem>>) attributes {dimension_semantics = [], scalar_prefetch = 0 : i64, scratch_operands = 0 : i64, tpu.core_type = #tpu.core_type<tc>} {
    %get3A = arith.constant 0 : index
    %get3A_0 = arith.constant 0 : index
    %get3A_1 = vector.load %arg0[%get3A, %get3A_0] : memref<10240x128xf32, #tpu.memory_space<vmem>>, vector<10240x128xf32>
    %get3A_2 = arith.constant 0 : index
    %get3A_3 = arith.constant 0 : index
    %get3A_4 = vector.load %arg1[%get3A_2, %get3A_3] : memref<128x64xf32, #tpu.memory_space<vmem>>, vector<128x64xf32>
    %dot_general3A = arith.constant dense<0.000000e+00> : vector<10240x64xf32>
    %dot_general3A_5 = tpu.matmul %get3A_1, %get3A_4, %dot_general3A {dimension_numbers = #tpu.dot_dimension_numbers<[1], [0], [0], [1], [0, 0, 1, 1], [], []>, transpose_lhs_hint = false} : vector<10240x128xf32>, vector<128x64xf32>, vector<10240x64xf32> -> vector<10240x64xf32>
    %swap3A = arith.constant 0 : index
    %swap3A_6 = arith.constant 0 : index
    %swap3A_7 = vector.load %arg2[%swap3A, %swap3A_6] : memref<10240x64xf32, #tpu.memory_space<vmem>>, vector<10240x64xf32>
    tpu.vector_store %arg2[%swap3A, %swap3A_6], %dot_general3A_5 {strides = array<i32>} : memref<10240x64xf32, #tpu.memory_space<vmem>>, vector<10240x64xf32>,
    return
  }
}

module attributes {stable_mosaic.version = 14 : i64} {
  func.func @_tc_scale_body(%arg0: memref<10240x64xf32, #tpu.memory_space<vmem>>, %arg1: memref<10240x32xf32, #tpu.memory_space<vmem>>, %arg2: memref<10240x64xf32, #tpu.memory_space<vmem>>, %arg3: memref<10240x64xf32, #tpu.memory_space<vmem>>) attributes {dimension_semantics = [], scalar_prefetch = 0 : i64, scratch_operands = 0 : i64, tpu.core_type = #tpu.core_type<tc>} {
    %get3A = arith.constant 0 : index
    %get3A_0 = arith.constant 0 : index
    %get3A_1 = vector.load %arg1[%get3A, %get3A_0] : memref<10240x32xf32, #tpu.memory_space<vmem>>, vector<10240x1xf32>
    %get3A_2 = arith.constant 0 : index
    %get3A_3 = arith.constant 16 : index
    %get3A_4 = vector.load %arg1[%get3A_2, %get3A_3] : memref<10240x32xf32, #tpu.memory_space<vmem>>, vector<10240x1xf32>
    %add3A = arith.addf %get3A_1, %get3A_4 : vector<10240x1xf32>
    %add3A_5 = arith.constant 1.000000e+00 : f32
    %add3A_6 = vector.broadcast %add3A_5 : f32 to vector<10240x1xf32>
    %add3A_7 = arith.addf %add3A, %add3A_6 : vector<10240x1xf32>
    %rsqrt3A = math.rsqrt %add3A_7 : vector<10240x1xf32>
    %broadcast_in_dim3A = vector.shape_cast %rsqrt3A : vector<10240x1xf32> to vector<10240x1xf32>
    %broadcast_in_dim3A_8 = vector.broadcast %broadcast_in_dim3A : vector<10240x1xf32> to vector<10240x64xf32>
    %get3A_9 = arith.constant 0 : index
    %get3A_10 = arith.constant 0 : index
    %get3A_11 = vector.load %arg0[%get3A_9, %get3A_10] : memref<10240x64xf32, #tpu.memory_space<vmem>>, vector<10240x64xf32>
    %mul3A = arith.mulf %broadcast_in_dim3A_8, %get3A_11 : vector<10240x64xf32>
    %swap3A = arith.constant 0 : index
    %swap3A_12 = arith.constant 0 : index
    %swap3A_13 = vector.load %arg2[%swap3A, %swap3A_12] : memref<10240x64xf32, #tpu.memory_space<vmem>>, vector<10240x64xf32>
    tpu.vector_store %arg2[%swap3A, %swap3A_12], %mul3A {strides = array<i32>} : memref<10240x64xf32, #tpu.memory_space<vmem>>, vector<10240x64xf32>,
    %swap3A_14 = arith.constant 0 : index
    %swap3A_15 = arith.constant 0 : index
    %swap3A_16 = vector.load %arg3[%swap3A_14, %swap3A_15] : memref<10240x64xf32, #tpu.memory_space<vmem>>, vector<10240x64xf32>
    tpu.vector_store %arg3[%swap3A_14, %swap3A_15], %broadcast_in_dim3A_8 {strides = array<i32>} : memref<10240x64xf32, #tpu.memory_space<vmem>>, vector<10240x64xf32>,
    return
  }
}

module attributes {stable_mosaic.version = 14 : i64} {
  func.func @_tc_c_body(%arg0: memref<10240x128xf32, #tpu.memory_space<vmem>>, %arg1: memref<10240x64xf32, #tpu.memory_space<vmem>>, %arg2: memref<10240x64xf32, #tpu.memory_space<vmem>>, %arg3: memref<1x64xf32, #tpu.memory_space<vmem>>, %arg4: memref<64x64xf32, #tpu.memory_space<vmem>>, %arg5: memref<10240x64xf32, #tpu.memory_space<vmem>>) attributes {dimension_semantics = [], scalar_prefetch = 0 : i64, scratch_operands = 0 : i64, tpu.core_type = #tpu.core_type<tc>} {
    %get3A = arith.constant 0 : index
    %get3A_0 = arith.constant 0 : index
    %get3A_1 = vector.load %arg2[%get3A, %get3A_0] : memref<10240x64xf32, #tpu.memory_space<vmem>>, vector<10240x64xf32>
    %get3A_2 = arith.constant 0 : index
    %get3A_3 = arith.constant 0 : index
    %get3A_4 = vector.load %arg0[%get3A_2, %get3A_3] : memref<10240x128xf32, #tpu.memory_space<vmem>>, vector<10240x64xf32>
    %get3A_5 = arith.constant 0 : index
    %get3A_6 = arith.constant 64 : index
    %get3A_7 = vector.load %arg0[%get3A_5, %get3A_6] : memref<10240x128xf32, #tpu.memory_space<vmem>>, vector<10240x64xf32>
    %add3A = arith.addf %get3A_4, %get3A_7 : vector<10240x64xf32>
    %get3A_8 = arith.constant 0 : index
    %get3A_9 = arith.constant 0 : index
    %get3A_10 = vector.load %arg1[%get3A_8, %get3A_9] : memref<10240x64xf32, #tpu.memory_space<vmem>>, vector<10240x64xf32>
    %add3A_11 = arith.addf %add3A, %get3A_10 : vector<10240x64xf32>
    %mul3A = arith.mulf %get3A_1, %add3A_11 : vector<10240x64xf32>
    %get3A_12 = arith.constant 0 : index
    %get3A_13 = arith.constant 0 : index
    %get3A_14 = vector.load %arg3[%get3A_12, %get3A_13] : memref<1x64xf32, #tpu.memory_space<vmem>>, vector<1x64xf32>
    %add3A_15 = vector.broadcast %get3A_14 : vector<1x64xf32> to vector<10240x64xf32>
    %add3A_16 = arith.addf %mul3A, %add3A_15 : vector<10240x64xf32>
    %max3A = arith.constant 0.000000e+00 : f32
    %max3A_17 = vector.broadcast %max3A : f32 to vector<10240x64xf32>
    %max3A_18 = arith.maximumf %add3A_16, %max3A_17 : vector<10240x64xf32>
    %get3A_19 = arith.constant 0 : index
    %get3A_20 = arith.constant 0 : index
    %get3A_21 = vector.load %arg4[%get3A_19, %get3A_20] : memref<64x64xf32, #tpu.memory_space<vmem>>, vector<64x64xf32>
    %dot_general3A = arith.constant dense<0.000000e+00> : vector<10240x64xf32>
    %dot_general3A_22 = tpu.matmul %max3A_18, %get3A_21, %dot_general3A {dimension_numbers = #tpu.dot_dimension_numbers<[1], [0], [0], [1], [0, 0, 1, 1], [], []>, transpose_lhs_hint = false} : vector<10240x64xf32>, vector<64x64xf32>, vector<10240x64xf32> -> vector<10240x64xf32>
    %mul3A_23 = arith.mulf %get3A_1, %dot_general3A_22 : vector<10240x64xf32>
    %swap3A = arith.constant 0 : index
    %swap3A_24 = arith.constant 0 : index
    %swap3A_25 = vector.load %arg5[%swap3A, %swap3A_24] : memref<10240x64xf32, #tpu.memory_space<vmem>>, vector<10240x64xf32>
    tpu.vector_store %arg5[%swap3A, %swap3A_24], %mul3A_23 {strides = array<i32>} : memref<10240x64xf32, #tpu.memory_space<vmem>>, vector<10240x64xf32>,
    return
  }
}

module attributes {stable_mosaic.version = 14 : i64} {
  func.func @_tc_d_body(%arg0: memref<10240x128xf32, #tpu.memory_space<vmem>>, %arg1: memref<10240x64xf32, #tpu.memory_space<vmem>>, %arg2: memref<10240x64xf32, #tpu.memory_space<vmem>>, %arg3: memref<1x64xf32, #tpu.memory_space<vmem>>, %arg4: memref<10240x1xi32, #tpu.memory_space<vmem>>, %arg5: memref<64x32xf32, #tpu.memory_space<vmem>>, %arg6: memref<1x32xf32, #tpu.memory_space<vmem>>, %arg7: memref<32x32xf32, #tpu.memory_space<vmem>>, %arg8: memref<1x32xf32, #tpu.memory_space<vmem>>, %arg9: memref<128x32xf32, #tpu.memory_space<vmem>>) attributes {dimension_semantics = [], scalar_prefetch = 0 : i64, scratch_operands = 0 : i64, tpu.core_type = #tpu.core_type<tc>} {
    %get3A = arith.constant 0 : index
    %get3A_0 = arith.constant 0 : index
    %get3A_1 = vector.load %arg2[%get3A, %get3A_0] : memref<10240x64xf32, #tpu.memory_space<vmem>>, vector<10240x64xf32>
    %get3A_2 = arith.constant 0 : index
    %get3A_3 = arith.constant 0 : index
    %get3A_4 = vector.load %arg0[%get3A_2, %get3A_3] : memref<10240x128xf32, #tpu.memory_space<vmem>>, vector<10240x64xf32>
    %get3A_5 = arith.constant 0 : index
    %get3A_6 = arith.constant 64 : index
    %get3A_7 = vector.load %arg0[%get3A_5, %get3A_6] : memref<10240x128xf32, #tpu.memory_space<vmem>>, vector<10240x64xf32>
    %add3A = arith.addf %get3A_4, %get3A_7 : vector<10240x64xf32>
    %get3A_8 = arith.constant 0 : index
    %get3A_9 = arith.constant 0 : index
    %get3A_10 = vector.load %arg1[%get3A_8, %get3A_9] : memref<10240x64xf32, #tpu.memory_space<vmem>>, vector<10240x64xf32>
    %add3A_11 = arith.addf %add3A, %get3A_10 : vector<10240x64xf32>
    %mul3A = arith.mulf %get3A_1, %add3A_11 : vector<10240x64xf32>
    %get3A_12 = arith.constant 0 : index
    %get3A_13 = arith.constant 0 : index
    %get3A_14 = vector.load %arg3[%get3A_12, %get3A_13] : memref<1x64xf32, #tpu.memory_space<vmem>>, vector<1x64xf32>
    %add3A_15 = vector.broadcast %get3A_14 : vector<1x64xf32> to vector<10240x64xf32>
    %add3A_16 = arith.addf %mul3A, %add3A_15 : vector<10240x64xf32>
    %max3A = arith.constant 0.000000e+00 : f32
    %max3A_17 = vector.broadcast %max3A : f32 to vector<10240x64xf32>
    %max3A_18 = arith.maximumf %add3A_16, %max3A_17 : vector<10240x64xf32>
    %iota3A = tpu.iota {dimensions = array<i32: 1>} : vector<10240x128xi32>
    %get3A_19 = arith.constant 0 : index
    %get3A_20 = arith.constant 0 : index
    %get3A_21 = vector.load %arg4[%get3A_19, %get3A_20] : memref<10240x1xi32, #tpu.memory_space<vmem>>, vector<10240x1xi32>
    %eq3A = vector.broadcast %get3A_21 : vector<10240x1xi32> to vector<10240x128xi32>
    %eq3A_22 = arith.cmpi eq, %eq3A, %iota3A : vector<10240x128xi32>
    %convert_element_type3A = arith.extui %eq3A_22 : vector<10240x128xi1> to vector<10240x128xi32>
    %convert_element_type3A_23 = arith.sitofp %convert_element_type3A : vector<10240x128xi32> to vector<10240x128xf32>
    %dot_general3A = arith.constant dense<0.000000e+00> : vector<128x64xf32>
    %dot_general3A_24 = tpu.matmul %convert_element_type3A_23, %max3A_18, %dot_general3A {dimension_numbers = #tpu.dot_dimension_numbers<[0], [0], [1], [1], [0, 1, 1, 1], [], []>, transpose_lhs_hint = false} : vector<10240x128xf32>, vector<10240x64xf32>, vector<128x64xf32> -> vector<128x64xf32>
    %broadcast_in_dim3A = arith.constant 1.000000e+00 : f32
    %broadcast_in_dim3A_25 = vector.broadcast %broadcast_in_dim3A : f32 to vector<10240x1xf32>
    %dot_general3A_26 = arith.constant dense<0.000000e+00> : vector<128x1xf32>
    %dot_general3A_27 = tpu.matmul %convert_element_type3A_23, %broadcast_in_dim3A_25, %dot_general3A_26 {dimension_numbers = #tpu.dot_dimension_numbers<[0], [0], [1], [1], [0, 1, 1, 1], [], []>, transpose_lhs_hint = false} : vector<10240x128xf32>, vector<10240x1xf32>, vector<128x1xf32> -> vector<128x1xf32>
    %max3A_28 = arith.constant 1.000000e+00 : f32
    %max3A_29 = vector.broadcast %max3A_28 : f32 to vector<128x1xf32>
    %max3A_30 = arith.maximumf %dot_general3A_27, %max3A_29 : vector<128x1xf32>
    %div3A = vector.broadcast %max3A_30 : vector<128x1xf32> to vector<128x64xf32>
    %div3A_31 = arith.divf %dot_general3A_24, %div3A : vector<128x64xf32>
    %get3A_32 = arith.constant 0 : index
    %get3A_33 = arith.constant 0 : index
    %get3A_34 = vector.load %arg5[%get3A_32, %get3A_33] : memref<64x32xf32, #tpu.memory_space<vmem>>, vector<64x32xf32>
    %dot_general3A_35 = arith.constant dense<0.000000e+00> : vector<128x32xf32>
    %dot_general3A_36 = tpu.matmul %div3A_31, %get3A_34, %dot_general3A_35 {dimension_numbers = #tpu.dot_dimension_numbers<[1], [0], [0], [1], [0, 0, 1, 1], [], []>, transpose_lhs_hint = false} : vector<128x64xf32>, vector<64x32xf32>, vector<128x32xf32> -> vector<128x32xf32>
    %get3A_37 = arith.constant 0 : index
    %get3A_38 = arith.constant 0 : index
    %get3A_39 = vector.load %arg6[%get3A_37, %get3A_38] : memref<1x32xf32, #tpu.memory_space<vmem>>, vector<1x32xf32>
    %add3A_40 = vector.broadcast %get3A_39 : vector<1x32xf32> to vector<128x32xf32>
    %add3A_41 = arith.addf %dot_general3A_36, %add3A_40 : vector<128x32xf32>
    %max3A_42 = arith.constant 0.000000e+00 : f32
    %max3A_43 = vector.broadcast %max3A_42 : f32 to vector<128x32xf32>
    %max3A_44 = arith.maximumf %add3A_41, %max3A_43 : vector<128x32xf32>
    %get3A_45 = arith.constant 0 : index
    %get3A_46 = arith.constant 0 : index
    %get3A_47 = vector.load %arg7[%get3A_45, %get3A_46] : memref<32x32xf32, #tpu.memory_space<vmem>>, vector<32x32xf32>
    %dot_general3A_48 = arith.constant dense<0.000000e+00> : vector<128x32xf32>
    %dot_general3A_49 = tpu.matmul %max3A_44, %get3A_47, %dot_general3A_48 {dimension_numbers = #tpu.dot_dimension_numbers<[1], [0], [0], [1], [0, 0, 1, 1], [], []>, transpose_lhs_hint = false} : vector<128x32xf32>, vector<32x32xf32>, vector<128x32xf32> -> vector<128x32xf32>
    %get3A_50 = arith.constant 0 : index
    %get3A_51 = arith.constant 0 : index
    %get3A_52 = vector.load %arg8[%get3A_50, %get3A_51] : memref<1x32xf32, #tpu.memory_space<vmem>>, vector<1x32xf32>
    %add3A_53 = vector.broadcast %get3A_52 : vector<1x32xf32> to vector<128x32xf32>
    %add3A_54 = arith.addf %dot_general3A_49, %add3A_53 : vector<128x32xf32>
    %reduce_max3A = arith.constant dense<0xFF800000> : vector<128xf32>
    %reduce_max3A_55 = vector.multi_reduction <maximumf>, %add3A_54, %reduce_max3A [1] : vector<128x32xf32> to vector<128xf32>
    %broadcast_in_dim3A_56 = vector.shape_cast %reduce_max3A_55 : vector<128xf32> to vector<128x1xf32>
    %sub3A = vector.broadcast %broadcast_in_dim3A_56 : vector<128x1xf32> to vector<128x32xf32>
    %sub3A_57 = arith.subf %add3A_54, %sub3A : vector<128x32xf32>
    %exp3A = math.exp %sub3A_57 : vector<128x32xf32>
    %reduce_sum3A = arith.constant dense<0.000000e+00> : vector<128xf32>
    %reduce_sum3A_58 = vector.multi_reduction <add>, %exp3A, %reduce_sum3A [1] : vector<128x32xf32> to vector<128xf32>
    %broadcast_in_dim3A_59 = vector.shape_cast %reduce_sum3A_58 : vector<128xf32> to vector<128x1xf32>
    %log3A = math.log %broadcast_in_dim3A_59 : vector<128x1xf32>
    %add3A_60 = arith.addf %log3A, %broadcast_in_dim3A_56 : vector<128x1xf32>
    %sub3A_61 = vector.broadcast %add3A_60 : vector<128x1xf32> to vector<128x32xf32>
    %sub3A_62 = arith.subf %add3A_54, %sub3A_61 : vector<128x32xf32>
    %swap3A = arith.constant 0 : index
    %swap3A_63 = arith.constant 0 : index
    %swap3A_64 = vector.load %arg9[%swap3A, %swap3A_63] : memref<128x32xf32, #tpu.memory_space<vmem>>, vector<128x32xf32>
    tpu.vector_store %arg9[%swap3A, %swap3A_63], %sub3A_62 {strides = array<i32>} : memref<128x32xf32, #tpu.memory_space<vmem>>, vector<128x32xf32>,
    return
  }
}

</mosaic_0001>

<sc_bundles>
// kernel: kernel.12.cloned.1.call-start
scs
__scs_entry_jumppad:
0x0: {  	(pc) =	sbr.rel $0x88, $3  }
0x1: {  	(tag) =	ssettag $0x0;
	lr =	simm.s32 $0x1  }
0x2: {  	[smem:$0x3F96] =	sst lr;
	_ =	strace $0xD0000000  }
0x3: {  	_ = 	snop  }
0x4: {  	_ = 	snop  }
0x5: {  	_ = 	snop  }
0x6: {  	_ = 	snop  }
0x7: {  	_ = 	snop  }
__scs_overlays_trampoline_lowered:
0x8: {  	[smem:$0x3FA5] =	sst s0  }
0x9: {  	[smem:$0x3FA6] =	sst s1  }
0xa: {  	[smem:$0x3FA7] =	sst s2  }
0xb: {  	[smem:$0x3FA8] =	sst s3  }
0xc: {  	[smem:$0x3FA9] =	sst s4  }
0xd: {  	[smem:$0x3FAA] =	sst s5  }
0xe: {  	[smem:$0x3FAB] =	sst s6  }
0xf: {  	[smem:$0x3FAC] =	sst s7  }
0x10: {  	[smem:$0x3FAD] =	sst s8  }
0x11: {  	[smem:$0x3FAE] =	sst s9;
	s0 =	simm.s32 @!p0 $0x0  }
0x12: {  	s1 =	sld [smem:$0x3F94];
	s0 =	simm.s32 @p0 $0x1  }
0x13: {  	[smem:$0x3FAF] =	sst s0;
	s0 =	simm.s32 @!p1 $0x0  }
0x14: {  	s2 =	sld [smem:$0x3F93];
	s0 =	simm.s32 @p1 $0x1  }
0x15: {  	[smem:$0x3FB0] =	sst s0;
	s0 =	simm.s32 @!p2 $0x0  }
0x16: {  	s3 =	sld [smem:$0x3FDB];
	s0 =	simm.s32 @p2 $0x1  }
0x17: {  	s4 =	simm.s32 $0x1BF5;
	[smem:$0x3FB2] =	sst s0  }
0x18: {  	s0 =	sld [smem:$0x3F95];
	_ =	swait.ge [sflag:s4], $0x0  }
0x19: {  	s7 =	sld [smem:$0x3F96]  }
0x1a: {  	s8 =	sadd.s32 $0xFFFFE003, lr  }
0x1b: {  	s9 =	sadd.s32 $0xFFFFFEF7, lr;
	s5 =	simm.s32 $0xFFFFFFFF;
	p2 =	slt.u32 s8, $0xFFFFF086  }
0x1c: {  	p1 =	slt.u32 s9, $0xF7A;
	s5 =	simm.s32 @!p2 $0x0  }
0x1d: {  	s5 =	simm.s32 @p1 $0x1;
	p0 =	seq.s32 s7, s2  }
0x1e: {  	s7 =	smul.u32 @!p0 $0xF7A, s2;
	p2 =	seq.s32 @!p0 s5, $0x0  }
0x1f: {  	s9 =	smul.u32 $0xF7A, s1;
	s8 =	simm.s32 @!p0 $0x1BF5;
	p2 =	por !p2, p0  }
0x20: {  	[sflag:s8] =	ssyncset.s32 @!p0 $0xFFFFF086;
	s6 =	sadd.s32 @!p0 s3, s7;
	s7 =	simm.s32 @!p0 $0x108  }
0x21: {  	s3 =	sadd.s32 s3, s9;
	s6 =	sadd.s32 @!p0 $0x88, s6;
	s7 =	simm.s32 @p2 $0x1082  }
0x22: {  	[simem:s7], [sflag:s8] =	dma.local @!p0 [hbm:s6], $0xF7A  }
0x23: {  	s9 =	sor.u32 $0xD0000000, s2;
	s6 =	simm.s32 $0x108;
	_ =	swait.ge @!p0 [sflag:s8], $0x0  }
0x24: {  	s3 =	sadd.s32 $0x88, s3;
	s6 =	simm.s32 @!p1 $0x1082;
	[sflag:s4] =	ssyncset.s32 $0xFFFFF086  }
0x25: {  	[simem:s6], [sflag:s4] =	dma.local [hbm:s3], $0xF7A  }
0x26: {  	[smem:$0x3F96] =	sst s1;
	(tag) =	ssettag s2;
	_ =	strace s9  }
0x27: {  	s1 =	sld [smem:$0x3FA6]  }
0x28: {  	s2 =	sld [smem:$0x3FA7]  }
0x29: {  	s4 =	sld [smem:$0x3FA9]  }
0x2a: {  	p0 =	seq.s32 s5, $0x0;
	s5 =	sld [smem:$0x3FAA]  }
0x2b: {  	s6 =	sld [smem:$0x3FAB]  }
0x2c: {  	s7 =	sld [smem:$0x3FAC]  }
0x2d: {  	s3 =	simm.s32 $0x108;
	s8 =	sld [smem:$0x3FAD]  }
0x2e: {  	s3 =	simm.s32 @!p0 $0x1082;
	s9 =	sld [smem:$0x3FAE]  }
0x2f: {  	lr =	sadd.s32 s0, s3;
	s0 =	sld [smem:$0x3FA5]  }
0x30: {  	s3 =	sld [smem:$0x3FA8]  }
0x31: {  	[smem:$0x3FB1] =	sst s10  }
0x32: {  	s10 =	sld [smem:$0x3FAF];
	_ =	sdelay $0x3  }
0x33: {  	p0 =	seq.s32 s10, $0x1;
	s10 =	sld [smem:$0x3FB1];
	_ =	sdelay $0x3  }
0x34: {  	[smem:$0x3FB1] =	sst s10  }
0x35: {  	s10 =	sld [smem:$0x3FB0];
	_ =	sdelay $0x3  }
0x36: {  	p1 =	seq.s32 s10, $0x1;
	s10 =	sld [smem:$0x3FB1];
	_ =	sdelay $0x3  }
0x37: {  	[smem:$0x3FB1] =	sst s10  }
0x38: {  	s10 =	sld [smem:$0x3FB2]  }
0x39: {  	_ = 	snop;
	(pc) =	sbr.ind lr, $3  }
0x3a: {  	_ = 	snop  }
0x3b: {  	_ = 	snop  }
0x3c: {  	p2 =	seq.s32 s10, $0x1;
	s10 =	sld [smem:$0x3FB1]  }
0x3d: {  	_ =	shalt  }
0x3e: {  	_ =	shalt  }
0x3f: {  	_ =	shalt  }
0x40: {  	_ =	shalt  }
0x41: {  	_ =	shalt  }
0x42: {  	_ =	shalt  }
0x43: {  	_ =	shalt  }
0x44: {  	_ =	shalt  }
0x45: {  	_ =	shalt  }
0x46: {  	_ =	shalt  }
0x47: {  	_ =	shalt  }
0x48: {  	_ =	shalt  }
0x49: {  	_ =	shalt  }
0x4a: {  	_ =	shalt  }
0x4b: {  	_ =	shalt  }
0x4c: {  	_ =	shalt  }
0x4d: {  	_ =	shalt  }
0x4e: {  	_ =	shalt  }
0x4f: {  	_ =	shalt  }
0x50: {  	_ =	shalt  }
0x51: {  	_ =	shalt  }
0x52: {  	_ =	shalt  }
0x53: {  	_ =	shalt  }
0x54: {  	_ =	shalt  }
0x55: {  	_ =	shalt  }
0x56: {  	_ =	shalt  }
0x57: {  	_ =	shalt  }
0x58: {  	_ =	shalt  }
0x59: {  	_ =	shalt  }
0x5a: {  	_ =	shalt  }
0x5b: {  	_ =	shalt  }
0x5c: {  	_ =	shalt  }
0x5d: {  	_ =	shalt  }
0x5e: {  	_ =	shalt  }
0x5f: {  	_ =	shalt  }
0x60: {  	_ =	shalt  }
0x61: {  	_ =	shalt  }
0x62: {  	_ =	shalt  }
0x63: {  	_ =	shalt  }
0x64: {  	_ =	shalt  }
0x65: {  	_ =	shalt  }
0x66: {  	_ =	shalt  }
0x67: {  	_ =	shalt  }
0x68: {  	_ =	shalt  }
0x69: {  	_ =	shalt  }
0x6a: {  	_ =	shalt  }
0x6b: {  	_ =	shalt  }
0x6c: {  	_ =	shalt  }
0x6d: {  	_ =	shalt  }
0x6e: {  	_ =	shalt  }
0x6f: {  	_ =	shalt  }
0x70: {  	_ =	shalt  }
0x71: {  	_ =	shalt  }
0x72: {  	_ =	shalt  }
0x73: {  	_ =	shalt  }
0x74: {  	_ =	shalt  }
0x75: {  	_ =	shalt  }
0x76: {  	_ =	shalt  }
0x77: {  	_ =	shalt  }
0x78: {  	_ =	shalt  }
0x79: {  	_ =	shalt  }
0x7a: {  	_ =	shalt  }
0x7b: {  	_ =	shalt  }
0x7c: {  	_ =	shalt  }
0x7d: {  	_ =	shalt  }
0x7e: {  	_ =	shalt  }
0x7f: {  	_ =	shalt  }
0x80: {  	_ =	shalt  }
0x81: {  	_ =	shalt  }
0x82: {  	_ =	shalt  }
0x83: {  	_ =	shalt  }
0x84: {  	_ =	shalt  }
0x85: {  	_ =	shalt  }
0x86: {  	_ =	shalt  }
0x87: {  	_ =	shalt  }
.Lfunc_end0:
.L_simem_size_0:
called_computation.1_lowered:
.L_overlay_start_0:
0x88: {  	s2 =	sld [smem:$0x3FD9]  }
0x89: {  	s3 =	sld [smem:$0x3FFE];
	_ =	sdelay $0x1  }
0x8a: {  	s1 =	srdreg.scid  }
0x8b: {  	s0 =	sand.u32 $0x1, s1  }
0x8c: {  	s16 =	sshll.u32 s0, $0xA;
	s2 =	sadd.s32 s3, s2  }
0x8d: {  	s2 =	sadd.s32 s2, s16  }
0x8e: {  	[smem:$0x3FBD] =	sst s2  }
0x8f: {  	_ = 	snop  }
0x90: {  	(tm) =	ssettm $0x1  }
0x91: {  	s17 =	sld [smem:$0x3FFB];
	_ =	sdelay $0x3  }
0x92: {  	_ =	strace s17  }
0x93: {  	s2 =	sld [smem:$0x3FFC];
	_ =	sdelay $0x3  }
0x94: {  	_ =	strace s2  }
0x95: {  	s2 =	sld [smem:$0x3FFD];
	_ =	sdelay $0x3  }
0x96: {  	_ =	strace s2  }
0x97: {  	_ =	strace $0x8FFFFFFF  }
0x98: {  	s18 =	sld [smem:$0x3FDB];
	_ =	sdelay $0x1  }
0x99: {  	s19 =	simm.s32 $_scs_section_size  }
0x9a: {  	s4 =	simm.s32 $_size__tile_overlayer_lowered;
	s5 =	simm.s32 $_tile_overlayer_lowered  }
0x9b: {  	s22 =	simm.s32 $0x1BFF;
	s21 =	sshll.u32 s5, $0x1;
	s2 =	sadd.s32 s19, s18  }
0x9c: {  	s6 =	simm.s32 $0x0;
	s20 =	sshll.u32 s4, $0x1;
	s4 =	sadd.s32 s21, s2  }
0x9d: {  	[timem:s6], [sflag:s22] =	dma.local [hbm:s4], s20  }
0x9e: {  	_ =	swait.ge [sflag:s22], s20  }
0x9f: {  	s3 =	ssub.s32 $0x0, s20;
	[sflag:s22] =	ssyncset.done $0x0  }
0xa0: {  	[sflag:s22] =	ssyncadd.s32 s3;
	_ =	sdelay $0x1  }
0xa1: {  	s23 =	simm.s32 $0x1B8B  }
0xa2: {  	_ =	swait.ge [sflag:s23], $0x1  }
0xa3: {  	[sflag:s23] =	ssyncset.done $0x0  }
0xa4: {  	s25 =	simm.s32 $0x1B8E;
	s24 =	sld [smem:$0x3FFE];
	[sflag:s23] =	ssyncadd.s32 $0xFFFFFFFF  }
0xa5: {  	s26 =	simm.s32 $execute0_lowered;
	[smem:$0x3FD2] =	sst s25  }
0xa6: {  	s4 =	sshll.u32 s26, $0x1;
	_ =	strace $0x80000049;
	[dreg:$0x1] =	wrdreg $0xFFFFFFFF  }
0xa7: {  	s28 =	simm.s32 $_size_execute0_lowered;
	s2 =	sadd.s32 s2, s4;
	[dreg:$0x0] =	wrdreg $0x0  }
0xa8: {  	s4 =	sshll.u32 s28, $0x1;
	[dreg:$0x2] =	wrdreg s2  }
0xa9: {  	[dreg:$0x3] =	wrdreg s4  }
0xaa: {  	[dreg:$0x4] =	wrdreg $0xC0  }
0xab: {  	_ =	task [dreg:s6], $0x5FFFF  }
0xac: {  	[dreg:$0x1] =	wrdreg $0xFFFFFFFF  }
0xad: {  	[dreg:$0x0] =	wrdreg $0x60  }
0xae: {  	[dreg:$0x2] =	wrdreg s24  }
0xaf: {  	[dreg:$0x3] =	wrdreg $0x0  }
0xb0: {  	[dreg:$0x4] =	wrdreg $0x9  }
0xb1: {  	_ =	task.clear_ibuf [dreg:s6], $0x5FFFF;
	_ =	strace $0x90000049  }
0xb2: {  	s29 =	simm.s32 $0x9;
	_ =	strace $0x8000004B  }
0xb3: {  	_ =	swait.ge [sflag:s29], $0x1  }
0xb4: {  	[sflag:s29] =	ssyncadd.s32 $0xFFFFFFFF  }
0xb5: {  	_ =	strace $0x9000004B  }
0xb6: {  	_ =	sfence  }
0xb7: {  	s30 =	sld [smem:$0x0];
	_ =	sdelay $0x2  }
0xb8: {  	s31 =	sshll.u32 s1, $0xD;
	s1 =	sshrl.u32 s1, $0x2  }
0xb9: {  	s3 =	sand.u32 $0x4000, s31;
	s1 =	sadd.s32 s1, s30  }
0xba: {  	s0 =	sor.u32 s3, s0;
	s1 =	sshll.u32 s1, $0x11  }
0xbb: {  	s0 =	sor.u32 s1, s0  }
0xbc: {  	s0 =	sadd.s32 $0x8F2B, s0  }
0xbd: {  	[sflag:s0] =	ssyncadd.remote.s32 $0x1  }
0xbe: {  	_ =	sfence.sel $0xFFFF  }
0xbf: {  	[dreg:$0x0] =	wrdreg $0xFFFFFFFF;
	(pc) =	sbr.abs _section_cstart, $3  }
0xc0: {  	[dreg:$0x1] =	wrdreg $0xFFFFFFFF  }
0xc1: {  	_ =	task.clear_ibuf [dreg:s6], $0x2FFFF;
	_ =	strace $0x9FFFFFFF  }
0xc2: {  	(tm) =	ssettm $0x7FFFFFFF  }
0xc3: {  	_ =	shalt  }
tec
execute0_lowered:
.L_overlay_start_1:
0x0: {  	(tag) =	ssettag $0x1  }
0x1: {  	s0 =	rddreg [dreg:$0x0];
	s1 =	srdreg.scid  }
0x2: {  	s11 =	stileid.u32;
	s2 =	rddreg [dreg:$0x1]  }
0x3: {  	s3 =	simm.s32 $0x0;
	s28 =	simm.s32 $0x10;
	s29 =	simm.s32 $0x8  }
0x4: {  	s30 =	simm.s32 $0x0;
	s1 =	sand.u32 $0x1, s1;
	s6 =	smul.u32 $0x28000, s11  }
0x5: {  	s4 =	sshll.u32 s11, $0x1;
	[smem:$0x7FF] =	sst s3;
	s20 =	smul.u32 $0x2800, s11  }
0x6: {  	s21 =	smul.u32 $0x280, s11;
	s4 =	sor.u32 s1, s4;
	_ =	strace $0x8000004A  }
0x7: {  	s18 =	ssub.s32 $0x2, s1;
	s8 =	sshll.u32 s1, $0x3;
	p0 =	seq.s32 s1, $0x0  }
0x8: {  	s5 =	smul.u32 $0x5A0, s4;
	s4 =	sadd.s32 $0x22600, s0;
	s9 =	sshrl.u32 s18, $0x1  }
0x9: {  	s6 =	sshrl.u32 s6, $0x2;
	s15 =	sadd.s32 $0x80, s21;
	s25 =	sadd.s32 $0x180, s21  }
0xa: {  	s1 =	sadd.s32 $0x200, s21;
	s10 =	ssub.s32 s18, s9;
	s16 =	sshll.u32 s15, $0x4  }
0xb: {  	s17 =	sshll.u32 s15, $0x6;
	s18 =	sadd.s32 $0x100, s21;
	s26 =	sshll.u32 s25, $0x4  }
0xc: {  	s31 =	sshll.u32 s1, $0x6;
	s21 =	simm.s32 $0x80;
	s7 =	sadd.s32 s5, s0  }
0xd: {  	s0 =	sadd.s32 s8, s0;
	s5 =	sadd.s32 s6, s2;
	s8 =	simm.s32 $0x5A  }
0xe: {  	s10 =	smax.u32 s10, $0x1;
	s22 =	sadd.s32 s17, s2;
	s23 =	sshll.u32 s18, $0x4  }
0xf: {  	s24 =	sshll.u32 s18, $0x6;
	s18 =	sshll.u32 s25, $0x6;
	s19 =	sadd.s32 $0x17200, s7  }
0x10: {  	s7 =	sadd.s32 $0x1E00, s7;
	s0 =	sadd.s32 $0x36600, s0;
	s8 =	simm.s32 @!p0 $0x44  }
0x11: {  	s11 =	sadd.s32 $0x2000, s5;
	s12 =	sadd.s32 $0x4000, s5;
	s13 =	sadd.s32 $0x6000, s5  }
0x12: {  	s14 =	sadd.s32 $0x8000, s5;
	s22 =	sshrl.u32 s22, $0x3;
	[dreg:$0x3] =	wrdreg s19  }
0x13: {  	s9 =	sadd.s32 s20, s0;
	s15 =	sadd.s32 s16, s0;
	s16 =	sadd.s32 s23, s0  }
0x14: {  	s23 =	sadd.s32 s24, s2;
	s17 =	sadd.s32 s26, s0;
	s19 =	sshll.u32 s1, $0x4  }
0x15: {  	s24 =	sadd.s32 s18, s2;
	s20 =	simm.s32 $0x2;
	s26 =	simm.s32 $0x1  }
0x16: {  	s18 =	sadd.s32 s19, s0;
	s0 =	sadd.s32 s31, s2;
	s19 =	simm.s32 $0xFA00  }
0x17: {  	v0 =	vimm.f32 $0.0e+00;
	s23 =	sshrl.u32 s23, $0x3;
	s24 =	sshrl.u32 s24, $0x3;
	s25 =	sshrl.u32 s0, $0x3  }
.LBB2_1:
0x18: {  	s0 =	sand.u32 $0x7F00, s3  }
0x19: {  	s1 =	sand.u32 $0x30, s3;
	s31 =	sshrl.u32 s0, $0x2  }
0x1a: {  	s0 =	simm.s32 $0x40;
	s31 =	sor.u32 s1, s31;
	s1 =	simm.s32 $0x0  }
.LBB2_2:
0x1b: {  	p0 =	sne.s32 s0, $0x7FC0  }
0x1c: {  	[tilespmem:s31+$0xFA00] =	vst v0;
	s1 =	sadd.s32 $0x10, s1;
	s31 =	smov.u32 s0;
	s0 =	sadd.s32 $0x40, s0  }
.Ltmp0:
0x1d: {  	(pc) =	sbr.rel @p0 .LBB2_2-.Ltmp0, $4  }
0x1e: {  	_ = 	snop  }
0x1f: {  	s31 =	sand.u32 $0x7F00, s31  }
0x20: {  	s6 =	sand.u32 $0x30, s1;
	s31 =	sshrl.u32 s31, $0x2  }
0x21: {  	s31 =	sor.u32 s6, s31  }
0x22: {  	[tilespmem:s31+$0xFA00] =	vst v0  }
0x23: {  	[spmem:s5] =	stream.linear.scatter [tilespmem:s19], [sflag:$0x2], $0x2000, $0x38;
	[tilespmem:$0x11A00] =	vst v63  }
0x24: {  	_ =	swait.ge [sflag:s20], $0x2000  }
0x25: {  	[sflag:s20] =	ssyncset.done $0x0  }
0x26: {  	[sflag:s20] =	ssyncadd.s32 $0xFFFFE000  }
0x27: {  	[spmem:s11] =	stream.linear.scatter [tilespmem:s19], [sflag:$0x2], $0x2000, $0x38;
	[tilespmem:$0x11A00] =	vst v63  }
0x28: {  	_ =	swait.ge [sflag:s20], $0x2000  }
0x29: {  	[sflag:s20] =	ssyncset.done $0x0  }
0x2a: {  	[sflag:s20] =	ssyncadd.s32 $0xFFFFE000  }
0x2b: {  	[spmem:s12] =	stream.linear.scatter [tilespmem:s19], [sflag:$0x2], $0x2000, $0x38;
	[tilespmem:$0x11A00] =	vst v63  }
0x2c: {  	_ =	swait.ge [sflag:s20], $0x2000  }
0x2d: {  	[sflag:s20] =	ssyncset.done $0x0  }
0x2e: {  	[sflag:s20] =	ssyncadd.s32 $0xFFFFE000  }
0x2f: {  	[spmem:s13] =	stream.linear.scatter [tilespmem:s19], [sflag:$0x2], $0x2000, $0x38;
	[tilespmem:$0x11A00] =	vst v63  }
0x30: {  	_ =	swait.ge [sflag:s20], $0x2000  }
0x31: {  	[sflag:s20] =	ssyncset.done $0x0  }
0x32: {  	[sflag:s20] =	ssyncadd.s32 $0xFFFFE000  }
0x33: {  	[spmem:s14] =	stream.linear.scatter [tilespmem:s19], [sflag:$0x2], $0x2000, $0x38;
	[tilespmem:$0x11A00] =	vst v63  }
0x34: {  	_ =	swait.ge [sflag:s20], $0x2000  }
0x35: {  	[sflag:s20] =	ssyncset.done $0x0  }
0x36: {  	s31 =	simm.s32 $0xA000;
	s0 =	rddreg [dreg:$0x3];
	[sflag:s20] =	ssyncadd.s32 $0xFFFFE000  }
0x37: {  	[tilespmem:s31], [sflag:$0x2] =	stream.linear.gather [hbm4b:s0+s3], $0x2D00, $0x38;
	[tilespmem:$0x11A00] =	vst v63  }
0x38: {  	_ =	swait.ge [sflag:s20], $0x2D00  }
0x39: {  	[sflag:s20] =	ssyncset.done $0x0  }
0x3a: {  	s1 =	simm.s32 $0xCD00;
	[sflag:s20] =	ssyncadd.s32 $0xFFFFD300  }
0x3b: {  	[tilespmem:s1], [sflag:$0x2] =	stream.linear.gather [hbm4b:s7+s3], $0x2D00, $0x38;
	[tilespmem:$0x11A00] =	vst v63  }
0x3c: {  	_ =	swait.ge [sflag:s20], $0x2D00  }
0x3d: {  	[sflag:s20] =	ssyncset.done $0x0  }
0x3e: {  	[sflag:s20] =	ssyncadd.s32 $0xFFFFD300  }
0x3f: {  	[bflag:$0x0] =	sbarrier.arrive $0xFFFF  }
0x40: {  	[tilespmem:s19], [sflag:$0x1] =	stream.indirect.gather [hbm4b:s4+s21], $0x40, s31, s21, $0xb8;
	[tilespmem:$0x11A00] =	vst v63  }
0x41: {  	p0 =	sne.s32 s8, $0x1;
	_ =	swait.ge [sflag:s26], $0x2000  }
.Ltmp1:
0x42: {  	[sflag:s26] =	ssyncset.done $0x0;
	(pc) =	sbr.rel @!p0 .LBB2_5-.Ltmp1, $4  }
0x43: {  	[sflag:s26] =	ssyncadd.s32 $0xFFFFE000  }
0x44: {  	[spmem:s2] =	stream.indirect.scatter.add.f32 [tilespmem:s19], [sflag:$0x2], $0x40, s1, s21, $0xb8;
	[tilespmem:$0x11A00] =	vst v63  }
0x45: {  	_ =	swait.ge [sflag:s20], $0x2000  }
0x46: {  	s0 =	sadd.s32 $0xFFFFFFFF, s8;
	[sflag:s20] =	ssyncset.done $0x0  }
.LBB2_4:
0x47: {  	[sflag:s20] =	ssyncadd.s32 $0xFFFFE000;
	s31 =	sadd.s32 $0x80, s31;
	s1 =	sadd.s32 $0x80, s1  }
0x48: {  	[tilespmem:s19], [sflag:$0x1] =	stream.indirect.gather [hbm4b:s4+s21], $0x40, s31, s21, $0xb8;
	[tilespmem:$0x11A00] =	vst v63  }
0x49: {  	p0 =	sne.s32 s0, $0x1;
	s0 =	sadd.s32 $0xFFFFFFFF, s0;
	_ =	swait.ge [sflag:s26], $0x2000  }
.Ltmp2:
0x4a: {  	[sflag:s26] =	ssyncset.done $0x0;
	(pc) =	sbr.rel @p0 .LBB2_4-.Ltmp2, $4  }
0x4b: {  	[sflag:s26] =	ssyncadd.s32 $0xFFFFE000  }
0x4c: {  	[spmem:s2] =	stream.indirect.scatter.add.f32 [tilespmem:s19], [sflag:$0x2], $0x40, s1, s21, $0xb8;
	[tilespmem:$0x11A00] =	vst v63  }
0x4d: {  	_ =	swait.ge [sflag:s20], $0x2000  }
0x4e: {  	[sflag:s20] =	ssyncset.done $0x0  }
.LBB2_5:
0x4f: {  	s0 =	stileid.u32  }
0x50: {  	[sflag:s20] =	ssyncadd.s32 $0xFFFFE000;
	s0 =	sshll.u32 s0, $0x6  }
0x51: {  	s1 =	sshrl.u32 s5, $0x3;
	[bflag:$0x0] =	sbarrier.arrive $0xFFFF;
	s0 =	sor.u32 $0x1C02, s0  }
0x52: {  	[hbm:s9@s28], [sflag:s0] =	dma.strided [spmem:s1@s29], $0x400, s26, $0x8   }
0x53: {  	_ =	swait.ge [sflag:s20], $0x400  }
0x54: {  	[sflag:s20] =	ssyncset.done $0x0  }
0x55: {  	[sflag:s20] =	ssyncadd.s32 $0xFFFFFC00  }
0x56: {  	[hbm:s15@s28], [sflag:s0] =	dma.strided [spmem:s22@s29], $0x400, s26, $0x8   }
0x57: {  	_ =	swait.ge [sflag:s20], $0x400  }
0x58: {  	[sflag:s20] =	ssyncset.done $0x0  }
0x59: {  	[sflag:s20] =	ssyncadd.s32 $0xFFFFFC00  }
0x5a: {  	[hbm:s16@s28], [sflag:s0] =	dma.strided [spmem:s23@s29], $0x400, s26, $0x8   }
0x5b: {  	_ =	swait.ge [sflag:s20], $0x400  }
0x5c: {  	[sflag:s20] =	ssyncset.done $0x0  }
0x5d: {  	[sflag:s20] =	ssyncadd.s32 $0xFFFFFC00  }
0x5e: {  	[hbm:s17@s28], [sflag:s0] =	dma.strided [spmem:s24@s29], $0x400, s26, $0x8   }
0x5f: {  	s30 =	sadd.s32 $0x1, s30;
	_ =	swait.ge [sflag:s20], $0x400  }
0x60: {  	p0 =	sne.s32 s30, s10;
	[sflag:s20] =	ssyncset.done $0x0  }
.Ltmp3:
0x61: {  	[sflag:s20] =	ssyncadd.s32 $0xFFFFFC00;
	(pc) =	sbr.rel @p0 .LBB2_1-.Ltmp3, $4  }
0x62: {  	[hbm:s18@s28], [sflag:s0] =	dma.strided [spmem:s25@s29], $0x400, s26, $0x8   }
0x63: {  	_ =	swait.ge [sflag:s20], $0x400  }
0x64: {  	[sflag:s20] =	ssyncset.done $0x0  }
0x65: {  	[sflag:s20] =	ssyncadd.s32 $0xFFFFFC00  }
0x66: {  	_ =	sfence.sel $0x180000  }
0x67: {  	[bflag:$0x0] =	sbarrier.arrive $0xFFFF  }
0x68: {  	_ =	strace $0x9000004A  }
0x69: {  	s0 =	stileid.u32;
	[bflag:$0x2] =	sbarrier.arrive $0xFFFF  }
0x6a: {  	p0 =	sne.s32 s0, $0x0;
	s0 =	rddreg [dreg:$0x2]  }
0x6b: {  	s0 =	sadd.s32 @!p0 $0x100000, s0  }
0x6c: {  	[sflag:s0] =	ssyncadd.tile.s32 @!p0 $0x1;
	_ =	shalt  }
.Lfunc_end2:
_tile_overlayer_lowered:
.L_overlay_start_2:
0x6d: {  	(tag) =	ssettag $0x2  }
0x6e: {  	s0 =	rddreg [dreg:$0x0];
	s2 =	stileid.u32  }
0x6f: {  	s1 =	rddreg [dreg:$0x1];
	p0 =	sne.s32 s2, $0x0  }
0x70: {  	s3 =	rddreg [dreg:$0x2];
	[bflag:$0x3] =	sbarrier.arrive $0xFFFF;
	s2 =	simm.s32 @!p0 $0x1C02  }
0x71: {  	[timem:s3], [sflag:s2] =	dma.local @!p0 [hbm:s0], s1  }
0x72: {  	s0 =	simm.s32 @!p0 $0x2  }
0x73: {  	_ =	swait.ge @!p0 [sflag:s0], s1  }
0x74: {  	s1 =	ssub.s32 @!p0 $0x0, s1;
	[sflag:s0] =	ssyncset.done @!p0 $0x0  }
0x75: {  	[sflag:s0] =	ssyncadd.s32 @!p0 s1  }
0x76: {  	[bflag:$0x3] =	sbarrier.arrive $0xFFFF  }
0x77: {  	_ =	shalt  }

// kernel: kernel.15.cloned.1.call-start
scs
__scs_entry_jumppad:
0x0: {  	(pc) =	sbr.rel $0x88, $3  }
0x1: {  	(tag) =	ssettag $0x0;
	lr =	simm.s32 $0x1  }
0x2: {  	[smem:$0x3F96] =	sst lr;
	_ =	strace $0xD0000000  }
0x3: {  	_ = 	snop  }
0x4: {  	_ = 	snop  }
0x5: {  	_ = 	snop  }
0x6: {  	_ = 	snop  }
0x7: {  	_ = 	snop  }
__scs_overlays_trampoline_lowered:
0x8: {  	[smem:$0x3FA5] =	sst s0  }
0x9: {  	[smem:$0x3FA6] =	sst s1  }
0xa: {  	[smem:$0x3FA7] =	sst s2  }
0xb: {  	[smem:$0x3FA8] =	sst s3  }
0xc: {  	[smem:$0x3FA9] =	sst s4  }
0xd: {  	[smem:$0x3FAA] =	sst s5  }
0xe: {  	[smem:$0x3FAB] =	sst s6  }
0xf: {  	[smem:$0x3FAC] =	sst s7  }
0x10: {  	[smem:$0x3FAD] =	sst s8  }
0x11: {  	[smem:$0x3FAE] =	sst s9;
	s0 =	simm.s32 @!p0 $0x0  }
0x12: {  	s1 =	sld [smem:$0x3F94];
	s0 =	simm.s32 @p0 $0x1  }
0x13: {  	[smem:$0x3FAF] =	sst s0;
	s0 =	simm.s32 @!p1 $0x0  }
0x14: {  	s2 =	sld [smem:$0x3F93];
	s0 =	simm.s32 @p1 $0x1  }
0x15: {  	[smem:$0x3FB0] =	sst s0;
	s0 =	simm.s32 @!p2 $0x0  }
0x16: {  	s3 =	sld [smem:$0x3FDB];
	s0 =	simm.s32 @p2 $0x1  }
0x17: {  	s4 =	simm.s32 $0x1BF5;
	[smem:$0x3FB2] =	sst s0  }
0x18: {  	s0 =	sld [smem:$0x3F95];
	_ =	swait.ge [sflag:s4], $0x0  }
0x19: {  	s7 =	sld [smem:$0x3F96]  }
0x1a: {  	s8 =	sadd.s32 $0xFFFFE003, lr  }
0x1b: {  	s9 =	sadd.s32 $0xFFFFFEF7, lr;
	s5 =	simm.s32 $0xFFFFFFFF;
	p2 =	slt.u32 s8, $0xFFFFF086  }
0x1c: {  	p1 =	slt.u32 s9, $0xF7A;
	s5 =	simm.s32 @!p2 $0x0  }
0x1d: {  	s5 =	simm.s32 @p1 $0x1;
	p0 =	seq.s32 s7, s2  }
0x1e: {  	s7 =	smul.u32 @!p0 $0xF7A, s2;
	p2 =	seq.s32 @!p0 s5, $0x0  }
0x1f: {  	s9 =	smul.u32 $0xF7A, s1;
	s8 =	simm.s32 @!p0 $0x1BF5;
	p2 =	por !p2, p0  }
0x20: {  	[sflag:s8] =	ssyncset.s32 @!p0 $0xFFFFF086;
	s6 =	sadd.s32 @!p0 s3, s7;
	s7 =	simm.s32 @!p0 $0x108  }
0x21: {  	s3 =	sadd.s32 s3, s9;
	s6 =	sadd.s32 @!p0 $0x88, s6;
	s7 =	simm.s32 @p2 $0x1082  }
0x22: {  	[simem:s7], [sflag:s8] =	dma.local @!p0 [hbm:s6], $0xF7A  }
0x23: {  	s9 =	sor.u32 $0xD0000000, s2;
	s6 =	simm.s32 $0x108;
	_ =	swait.ge @!p0 [sflag:s8], $0x0  }
0x24: {  	s3 =	sadd.s32 $0x88, s3;
	s6 =	simm.s32 @!p1 $0x1082;
	[sflag:s4] =	ssyncset.s32 $0xFFFFF086  }
0x25: {  	[simem:s6], [sflag:s4] =	dma.local [hbm:s3], $0xF7A  }
0x26: {  	[smem:$0x3F96] =	sst s1;
	(tag) =	ssettag s2;
	_ =	strace s9  }
0x27: {  	s1 =	sld [smem:$0x3FA6]  }
0x28: {  	s2 =	sld [smem:$0x3FA7]  }
0x29: {  	s4 =	sld [smem:$0x3FA9]  }
0x2a: {  	p0 =	seq.s32 s5, $0x0;
	s5 =	sld [smem:$0x3FAA]  }
0x2b: {  	s6 =	sld [smem:$0x3FAB]  }
0x2c: {  	s7 =	sld [smem:$0x3FAC]  }
0x2d: {  	s3 =	simm.s32 $0x108;
	s8 =	sld [smem:$0x3FAD]  }
0x2e: {  	s3 =	simm.s32 @!p0 $0x1082;
	s9 =	sld [smem:$0x3FAE]  }
0x2f: {  	lr =	sadd.s32 s0, s3;
	s0 =	sld [smem:$0x3FA5]  }
0x30: {  	s3 =	sld [smem:$0x3FA8]  }
0x31: {  	[smem:$0x3FB1] =	sst s10  }
0x32: {  	s10 =	sld [smem:$0x3FAF];
	_ =	sdelay $0x3  }
0x33: {  	p0 =	seq.s32 s10, $0x1;
	s10 =	sld [smem:$0x3FB1];
	_ =	sdelay $0x3  }
0x34: {  	[smem:$0x3FB1] =	sst s10  }
0x35: {  	s10 =	sld [smem:$0x3FB0];
	_ =	sdelay $0x3  }
0x36: {  	p1 =	seq.s32 s10, $0x1;
	s10 =	sld [smem:$0x3FB1];
	_ =	sdelay $0x3  }
0x37: {  	[smem:$0x3FB1] =	sst s10  }
0x38: {  	s10 =	sld [smem:$0x3FB2]  }
0x39: {  	_ = 	snop;
	(pc) =	sbr.ind lr, $3  }
0x3a: {  	_ = 	snop  }
0x3b: {  	_ = 	snop  }
0x3c: {  	p2 =	seq.s32 s10, $0x1;
	s10 =	sld [smem:$0x3FB1]  }
0x3d: {  	_ =	shalt  }
0x3e: {  	_ =	shalt  }
0x3f: {  	_ =	shalt  }
0x40: {  	_ =	shalt  }
0x41: {  	_ =	shalt  }
0x42: {  	_ =	shalt  }
0x43: {  	_ =	shalt  }
0x44: {  	_ =	shalt  }
0x45: {  	_ =	shalt  }
0x46: {  	_ =	shalt  }
0x47: {  	_ =	shalt  }
0x48: {  	_ =	shalt  }
0x49: {  	_ =	shalt  }
0x4a: {  	_ =	shalt  }
0x4b: {  	_ =	shalt  }
0x4c: {  	_ =	shalt  }
0x4d: {  	_ =	shalt  }
0x4e: {  	_ =	shalt  }
0x4f: {  	_ =	shalt  }
0x50: {  	_ =	shalt  }
0x51: {  	_ =	shalt  }
0x52: {  	_ =	shalt  }
0x53: {  	_ =	shalt  }
0x54: {  	_ =	shalt  }
0x55: {  	_ =	shalt  }
0x56: {  	_ =	shalt  }
0x57: {  	_ =	shalt  }
0x58: {  	_ =	shalt  }
0x59: {  	_ =	shalt  }
0x5a: {  	_ =	shalt  }
0x5b: {  	_ =	shalt  }
0x5c: {  	_ =	shalt  }
0x5d: {  	_ =	shalt  }
0x5e: {  	_ =	shalt  }
0x5f: {  	_ =	shalt  }
0x60: {  	_ =	shalt  }
0x61: {  	_ =	shalt  }
0x62: {  	_ =	shalt  }
0x63: {  	_ =	shalt  }
0x64: {  	_ =	shalt  }
0x65: {  	_ =	shalt  }
0x66: {  	_ =	shalt  }
0x67: {  	_ =	shalt  }
0x68: {  	_ =	shalt  }
0x69: {  	_ =	shalt  }
0x6a: {  	_ =	shalt  }
0x6b: {  	_ =	shalt  }
0x6c: {  	_ =	shalt  }
0x6d: {  	_ =	shalt  }
0x6e: {  	_ =	shalt  }
0x6f: {  	_ =	shalt  }
0x70: {  	_ =	shalt  }
0x71: {  	_ =	shalt  }
0x72: {  	_ =	shalt  }
0x73: {  	_ =	shalt  }
0x74: {  	_ =	shalt  }
0x75: {  	_ =	shalt  }
0x76: {  	_ =	shalt  }
0x77: {  	_ =	shalt  }
0x78: {  	_ =	shalt  }
0x79: {  	_ =	shalt  }
0x7a: {  	_ =	shalt  }
0x7b: {  	_ =	shalt  }
0x7c: {  	_ =	shalt  }
0x7d: {  	_ =	shalt  }
0x7e: {  	_ =	shalt  }
0x7f: {  	_ =	shalt  }
0x80: {  	_ =	shalt  }
0x81: {  	_ =	shalt  }
0x82: {  	_ =	shalt  }
0x83: {  	_ =	shalt  }
0x84: {  	_ =	shalt  }
0x85: {  	_ =	shalt  }
0x86: {  	_ =	shalt  }
0x87: {  	_ =	shalt  }
.Lfunc_end0:
.L_simem_size_0:
called_computation.2_lowered:
.L_overlay_start_0:
0x88: {  	s2 =	sld [smem:$0x3FD9]  }
0x89: {  	s3 =	sld [smem:$0x3FFE];
	_ =	sdelay $0x1  }
0x8a: {  	s1 =	srdreg.scid  }
0x8b: {  	s0 =	sand.u32 $0x1, s1  }
0x8c: {  	s16 =	sshll.u32 s0, $0xA;
	s2 =	sadd.s32 s3, s2  }
0x8d: {  	s2 =	sadd.s32 s2, s16  }
0x8e: {  	[smem:$0x3FBD] =	sst s2  }
0x8f: {  	_ = 	snop  }
0x90: {  	(tm) =	ssettm $0x1  }
0x91: {  	s17 =	sld [smem:$0x3FFB];
	_ =	sdelay $0x3  }
0x92: {  	_ =	strace s17  }
0x93: {  	s2 =	sld [smem:$0x3FFC];
	_ =	sdelay $0x3  }
0x94: {  	_ =	strace s2  }
0x95: {  	s2 =	sld [smem:$0x3FFD];
	_ =	sdelay $0x3  }
0x96: {  	_ =	strace s2  }
0x97: {  	_ =	strace $0x8FFFFFFF  }
0x98: {  	s18 =	sld [smem:$0x3FDB];
	_ =	sdelay $0x1  }
0x99: {  	s19 =	simm.s32 $_scs_section_size  }
0x9a: {  	s4 =	simm.s32 $_size__tile_overlayer_lowered;
	s5 =	simm.s32 $_tile_overlayer_lowered  }
0x9b: {  	s22 =	simm.s32 $0x1BFF;
	s21 =	sshll.u32 s5, $0x1;
	s2 =	sadd.s32 s19, s18  }
0x9c: {  	s6 =	simm.s32 $0x0;
	s20 =	sshll.u32 s4, $0x1;
	s4 =	sadd.s32 s21, s2  }
0x9d: {  	[timem:s6], [sflag:s22] =	dma.local [hbm:s4], s20  }
0x9e: {  	_ =	swait.ge [sflag:s22], s20  }
0x9f: {  	s3 =	ssub.s32 $0x0, s20;
	[sflag:s22] =	ssyncset.done $0x0  }
0xa0: {  	[sflag:s22] =	ssyncadd.s32 s3;
	_ =	sdelay $0x1  }
0xa1: {  	s23 =	simm.s32 $0x1B8B  }
0xa2: {  	_ =	swait.ge [sflag:s23], $0x1  }
0xa3: {  	[sflag:s23] =	ssyncset.done $0x0  }
0xa4: {  	s25 =	simm.s32 $0x1B8E;
	s24 =	sld [smem:$0x3FFE];
	[sflag:s23] =	ssyncadd.s32 $0xFFFFFFFF  }
0xa5: {  	s26 =	simm.s32 $execute0_lowered;
	[smem:$0x3FD2] =	sst s25  }
0xa6: {  	s4 =	sshll.u32 s26, $0x1;
	_ =	strace $0x8000004C;
	[dreg:$0x1] =	wrdreg $0xFFFFFFFF  }
0xa7: {  	s28 =	simm.s32 $_size_execute0_lowered;
	s2 =	sadd.s32 s2, s4;
	[dreg:$0x0] =	wrdreg $0x0  }
0xa8: {  	s4 =	sshll.u32 s28, $0x1;
	[dreg:$0x2] =	wrdreg s2  }
0xa9: {  	[dreg:$0x3] =	wrdreg s4  }
0xaa: {  	[dreg:$0x4] =	wrdreg $0xC0  }
0xab: {  	_ =	task [dreg:s6], $0x5FFFF  }
0xac: {  	[dreg:$0x1] =	wrdreg $0xFFFFFFFF  }
0xad: {  	[dreg:$0x0] =	wrdreg $0x60  }
0xae: {  	[dreg:$0x2] =	wrdreg s24  }
0xaf: {  	[dreg:$0x3] =	wrdreg $0x0  }
0xb0: {  	[dreg:$0x4] =	wrdreg $0x9  }
0xb1: {  	_ =	task.clear_ibuf [dreg:s6], $0x5FFFF;
	_ =	strace $0x9000004C  }
0xb2: {  	s29 =	simm.s32 $0x9;
	_ =	strace $0x8000004E  }
0xb3: {  	_ =	swait.ge [sflag:s29], $0x1  }
0xb4: {  	[sflag:s29] =	ssyncadd.s32 $0xFFFFFFFF  }
0xb5: {  	_ =	strace $0x9000004E  }
0xb6: {  	_ =	sfence  }
0xb7: {  	s30 =	sld [smem:$0x0];
	_ =	sdelay $0x2  }
0xb8: {  	s31 =	sshll.u32 s1, $0xD;
	s1 =	sshrl.u32 s1, $0x2  }
0xb9: {  	s3 =	sand.u32 $0x4000, s31;
	s1 =	sadd.s32 s1, s30  }
0xba: {  	s0 =	sor.u32 s3, s0;
	s1 =	sshll.u32 s1, $0x11  }
0xbb: {  	s0 =	sor.u32 s1, s0  }
0xbc: {  	s0 =	sadd.s32 $0x8F2B, s0  }
0xbd: {  	[sflag:s0] =	ssyncadd.remote.s32 $0x1  }
0xbe: {  	_ =	sfence.sel $0xFFFF  }
0xbf: {  	[dreg:$0x0] =	wrdreg $0xFFFFFFFF;
	(pc) =	sbr.abs _section_cstart, $3  }
0xc0: {  	[dreg:$0x1] =	wrdreg $0xFFFFFFFF  }
0xc1: {  	_ =	task.clear_ibuf [dreg:s6], $0x2FFFF;
	_ =	strace $0x9FFFFFFF  }
0xc2: {  	(tm) =	ssettm $0x7FFFFFFF  }
0xc3: {  	_ =	shalt  }
tec
execute0_lowered:
.L_overlay_start_1:
0x0: {  	(tag) =	ssettag $0x1  }
0x1: {  	s0 =	rddreg [dreg:$0x0];
	s1 =	srdreg.scid  }
0x2: {  	s11 =	stileid.u32;
	s2 =	rddreg [dreg:$0x1]  }
0x3: {  	s3 =	simm.s32 $0x0;
	s28 =	simm.s32 $0x10;
	s29 =	simm.s32 $0x8  }
0x4: {  	s30 =	simm.s32 $0x0;
	s1 =	sand.u32 $0x1, s1;
	s6 =	smul.u32 $0x28000, s11  }
0x5: {  	s4 =	sshll.u32 s11, $0x1;
	[smem:$0x7FF] =	sst s3;
	s20 =	smul.u32 $0x2800, s11  }
0x6: {  	s21 =	smul.u32 $0x280, s11;
	s4 =	sor.u32 s1, s4;
	_ =	strace $0x8000004D  }
0x7: {  	s18 =	ssub.s32 $0x2, s1;
	s8 =	sshll.u32 s1, $0x3;
	p0 =	seq.s32 s1, $0x0  }
0x8: {  	s5 =	smul.u32 $0x5A0, s4;
	s4 =	sadd.s32 $0x22600, s0;
	s9 =	sshrl.u32 s18, $0x1  }
0x9: {  	s6 =	sshrl.u32 s6, $0x2;
	s15 =	sadd.s32 $0x80, s21;
	s25 =	sadd.s32 $0x180, s21  }
0xa: {  	s1 =	sadd.s32 $0x200, s21;
	s10 =	ssub.s32 s18, s9;
	s16 =	sshll.u32 s15, $0x4  }
0xb: {  	s17 =	sshll.u32 s15, $0x6;
	s18 =	sadd.s32 $0x100, s21;
	s26 =	sshll.u32 s25, $0x4  }
0xc: {  	s31 =	sshll.u32 s1, $0x6;
	s21 =	simm.s32 $0x80;
	s7 =	sadd.s32 s5, s0  }
0xd: {  	s0 =	sadd.s32 s8, s0;
	s5 =	sadd.s32 s6, s2;
	s8 =	simm.s32 $0x5A  }
0xe: {  	s10 =	smax.u32 s10, $0x1;
	s22 =	sadd.s32 s17, s2;
	s23 =	sshll.u32 s18, $0x4  }
0xf: {  	s24 =	sshll.u32 s18, $0x6;
	s18 =	sshll.u32 s25, $0x6;
	s19 =	sadd.s32 $0x17200, s7  }
0x10: {  	s7 =	sadd.s32 $0x1E00, s7;
	s0 =	sadd.s32 $0x36600, s0;
	s8 =	simm.s32 @!p0 $0x44  }
0x11: {  	s11 =	sadd.s32 $0x2000, s5;
	s12 =	sadd.s32 $0x4000, s5;
	s13 =	sadd.s32 $0x6000, s5  }
0x12: {  	s14 =	sadd.s32 $0x8000, s5;
	s22 =	sshrl.u32 s22, $0x3;
	[dreg:$0x3] =	wrdreg s19  }
0x13: {  	s9 =	sadd.s32 s20, s0;
	s15 =	sadd.s32 s16, s0;
	s16 =	sadd.s32 s23, s0  }
0x14: {  	s23 =	sadd.s32 s24, s2;
	s17 =	sadd.s32 s26, s0;
	s19 =	sshll.u32 s1, $0x4  }
0x15: {  	s24 =	sadd.s32 s18, s2;
	s20 =	simm.s32 $0x2;
	s26 =	simm.s32 $0x1  }
0x16: {  	s18 =	sadd.s32 s19, s0;
	s0 =	sadd.s32 s31, s2;
	s19 =	simm.s32 $0xFA00  }
0x17: {  	v0 =	vimm.f32 $0.0e+00;
	s23 =	sshrl.u32 s23, $0x3;
	s24 =	sshrl.u32 s24, $0x3;
	s25 =	sshrl.u32 s0, $0x3  }
.LBB2_1:
0x18: {  	s0 =	sand.u32 $0x7F00, s3  }
0x19: {  	s1 =	sand.u32 $0x30, s3;
	s31 =	sshrl.u32 s0, $0x2  }
0x1a: {  	s0 =	simm.s32 $0x40;
	s31 =	sor.u32 s1, s31;
	s1 =	simm.s32 $0x0  }
.LBB2_2:
0x1b: {  	p0 =	sne.s32 s0, $0x7FC0  }
0x1c: {  	[tilespmem:s31+$0xFA00] =	vst v0;
	s1 =	sadd.s32 $0x10, s1;
	s31 =	smov.u32 s0;
	s0 =	sadd.s32 $0x40, s0  }
.Ltmp0:
0x1d: {  	(pc) =	sbr.rel @p0 .LBB2_2-.Ltmp0, $4  }
0x1e: {  	_ = 	snop  }
0x1f: {  	s31 =	sand.u32 $0x7F00, s31  }
0x20: {  	s6 =	sand.u32 $0x30, s1;
	s31 =	sshrl.u32 s31, $0x2  }
0x21: {  	s31 =	sor.u32 s6, s31  }
0x22: {  	[tilespmem:s31+$0xFA00] =	vst v0  }
0x23: {  	[spmem:s5] =	stream.linear.scatter [tilespmem:s19], [sflag:$0x2], $0x2000, $0x38;
	[tilespmem:$0x11A00] =	vst v63  }
0x24: {  	_ =	swait.ge [sflag:s20], $0x2000  }
0x25: {  	[sflag:s20] =	ssyncset.done $0x0  }
0x26: {  	[sflag:s20] =	ssyncadd.s32 $0xFFFFE000  }
0x27: {  	[spmem:s11] =	stream.linear.scatter [tilespmem:s19], [sflag:$0x2], $0x2000, $0x38;
	[tilespmem:$0x11A00] =	vst v63  }
0x28: {  	_ =	swait.ge [sflag:s20], $0x2000  }
0x29: {  	[sflag:s20] =	ssyncset.done $0x0  }
0x2a: {  	[sflag:s20] =	ssyncadd.s32 $0xFFFFE000  }
0x2b: {  	[spmem:s12] =	stream.linear.scatter [tilespmem:s19], [sflag:$0x2], $0x2000, $0x38;
	[tilespmem:$0x11A00] =	vst v63  }
0x2c: {  	_ =	swait.ge [sflag:s20], $0x2000  }
0x2d: {  	[sflag:s20] =	ssyncset.done $0x0  }
0x2e: {  	[sflag:s20] =	ssyncadd.s32 $0xFFFFE000  }
0x2f: {  	[spmem:s13] =	stream.linear.scatter [tilespmem:s19], [sflag:$0x2], $0x2000, $0x38;
	[tilespmem:$0x11A00] =	vst v63  }
0x30: {  	_ =	swait.ge [sflag:s20], $0x2000  }
0x31: {  	[sflag:s20] =	ssyncset.done $0x0  }
0x32: {  	[sflag:s20] =	ssyncadd.s32 $0xFFFFE000  }
0x33: {  	[spmem:s14] =	stream.linear.scatter [tilespmem:s19], [sflag:$0x2], $0x2000, $0x38;
	[tilespmem:$0x11A00] =	vst v63  }
0x34: {  	_ =	swait.ge [sflag:s20], $0x2000  }
0x35: {  	[sflag:s20] =	ssyncset.done $0x0  }
0x36: {  	s31 =	simm.s32 $0xA000;
	s0 =	rddreg [dreg:$0x3];
	[sflag:s20] =	ssyncadd.s32 $0xFFFFE000  }
0x37: {  	[tilespmem:s31], [sflag:$0x2] =	stream.linear.gather [hbm4b:s0+s3], $0x2D00, $0x38;
	[tilespmem:$0x11A00] =	vst v63  }
0x38: {  	_ =	swait.ge [sflag:s20], $0x2D00  }
0x39: {  	[sflag:s20] =	ssyncset.done $0x0  }
0x3a: {  	s1 =	simm.s32 $0xCD00;
	[sflag:s20] =	ssyncadd.s32 $0xFFFFD300  }
0x3b: {  	[tilespmem:s1], [sflag:$0x2] =	stream.linear.gather [hbm4b:s7+s3], $0x2D00, $0x38;
	[tilespmem:$0x11A00] =	vst v63  }
0x3c: {  	_ =	swait.ge [sflag:s20], $0x2D00  }
0x3d: {  	[sflag:s20] =	ssyncset.done $0x0  }
0x3e: {  	[sflag:s20] =	ssyncadd.s32 $0xFFFFD300  }
0x3f: {  	[bflag:$0x0] =	sbarrier.arrive $0xFFFF  }
0x40: {  	[tilespmem:s19], [sflag:$0x1] =	stream.indirect.gather [hbm4b:s4+s21], $0x40, s31, s21, $0xb8;
	[tilespmem:$0x11A00] =	vst v63  }
0x41: {  	p0 =	sne.s32 s8, $0x1;
	_ =	swait.ge [sflag:s26], $0x2000  }
.Ltmp1:
0x42: {  	[sflag:s26] =	ssyncset.done $0x0;
	(pc) =	sbr.rel @!p0 .LBB2_5-.Ltmp1, $4  }
0x43: {  	[sflag:s26] =	ssyncadd.s32 $0xFFFFE000  }
0x44: {  	[spmem:s2] =	stream.indirect.scatter.add.f32 [tilespmem:s19], [sflag:$0x2], $0x40, s1, s21, $0xb8;
	[tilespmem:$0x11A00] =	vst v63  }
0x45: {  	_ =	swait.ge [sflag:s20], $0x2000  }
0x46: {  	s0 =	sadd.s32 $0xFFFFFFFF, s8;
	[sflag:s20] =	ssyncset.done $0x0  }
.LBB2_4:
0x47: {  	[sflag:s20] =	ssyncadd.s32 $0xFFFFE000;
	s31 =	sadd.s32 $0x80, s31;
	s1 =	sadd.s32 $0x80, s1  }
0x48: {  	[tilespmem:s19], [sflag:$0x1] =	stream.indirect.gather [hbm4b:s4+s21], $0x40, s31, s21, $0xb8;
	[tilespmem:$0x11A00] =	vst v63  }
0x49: {  	p0 =	sne.s32 s0, $0x1;
	s0 =	sadd.s32 $0xFFFFFFFF, s0;
	_ =	swait.ge [sflag:s26], $0x2000  }
.Ltmp2:
0x4a: {  	[sflag:s26] =	ssyncset.done $0x0;
	(pc) =	sbr.rel @p0 .LBB2_4-.Ltmp2, $4  }
0x4b: {  	[sflag:s26] =	ssyncadd.s32 $0xFFFFE000  }
0x4c: {  	[spmem:s2] =	stream.indirect.scatter.add.f32 [tilespmem:s19], [sflag:$0x2], $0x40, s1, s21, $0xb8;
	[tilespmem:$0x11A00] =	vst v63  }
0x4d: {  	_ =	swait.ge [sflag:s20], $0x2000  }
0x4e: {  	[sflag:s20] =	ssyncset.done $0x0  }
.LBB2_5:
0x4f: {  	s0 =	stileid.u32  }
0x50: {  	[sflag:s20] =	ssyncadd.s32 $0xFFFFE000;
	s0 =	sshll.u32 s0, $0x6  }
0x51: {  	s1 =	sshrl.u32 s5, $0x3;
	[bflag:$0x0] =	sbarrier.arrive $0xFFFF;
	s0 =	sor.u32 $0x1C02, s0  }
0x52: {  	[hbm:s9@s28], [sflag:s0] =	dma.strided [spmem:s1@s29], $0x400, s26, $0x8   }
0x53: {  	_ =	swait.ge [sflag:s20], $0x400  }
0x54: {  	[sflag:s20] =	ssyncset.done $0x0  }
0x55: {  	[sflag:s20] =	ssyncadd.s32 $0xFFFFFC00  }
0x56: {  	[hbm:s15@s28], [sflag:s0] =	dma.strided [spmem:s22@s29], $0x400, s26, $0x8   }
0x57: {  	_ =	swait.ge [sflag:s20], $0x400  }
0x58: {  	[sflag:s20] =	ssyncset.done $0x0  }
0x59: {  	[sflag:s20] =	ssyncadd.s32 $0xFFFFFC00  }
0x5a: {  	[hbm:s16@s28], [sflag:s0] =	dma.strided [spmem:s23@s29], $0x400, s26, $0x8   }
0x5b: {  	_ =	swait.ge [sflag:s20], $0x400  }
0x5c: {  	[sflag:s20] =	ssyncset.done $0x0  }
0x5d: {  	[sflag:s20] =	ssyncadd.s32 $0xFFFFFC00  }
0x5e: {  	[hbm:s17@s28], [sflag:s0] =	dma.strided [spmem:s24@s29], $0x400, s26, $0x8   }
0x5f: {  	s30 =	sadd.s32 $0x1, s30;
	_ =	swait.ge [sflag:s20], $0x400  }
0x60: {  	p0 =	sne.s32 s30, s10;
	[sflag:s20] =	ssyncset.done $0x0  }
.Ltmp3:
0x61: {  	[sflag:s20] =	ssyncadd.s32 $0xFFFFFC00;
	(pc) =	sbr.rel @p0 .LBB2_1-.Ltmp3, $4  }
0x62: {  	[hbm:s18@s28], [sflag:s0] =	dma.strided [spmem:s25@s29], $0x400, s26, $0x8   }
0x63: {  	_ =	swait.ge [sflag:s20], $0x400  }
0x64: {  	[sflag:s20] =	ssyncset.done $0x0  }
0x65: {  	[sflag:s20] =	ssyncadd.s32 $0xFFFFFC00  }
0x66: {  	_ =	sfence.sel $0x180000  }
0x67: {  	[bflag:$0x0] =	sbarrier.arrive $0xFFFF  }
0x68: {  	_ =	strace $0x9000004D  }
0x69: {  	s0 =	stileid.u32;
	[bflag:$0x2] =	sbarrier.arrive $0xFFFF  }
0x6a: {  	p0 =	sne.s32 s0, $0x0;
	s0 =	rddreg [dreg:$0x2]  }
0x6b: {  	s0 =	sadd.s32 @!p0 $0x100000, s0  }
0x6c: {  	[sflag:s0] =	ssyncadd.tile.s32 @!p0 $0x1;
	_ =	shalt  }
.Lfunc_end2:
_tile_overlayer_lowered:
.L_overlay_start_2:
0x6d: {  	(tag) =	ssettag $0x2  }
0x6e: {  	s0 =	rddreg [dreg:$0x0];
	s2 =	stileid.u32  }
0x6f: {  	s1 =	rddreg [dreg:$0x1];
	p0 =	sne.s32 s2, $0x0  }
0x70: {  	s3 =	rddreg [dreg:$0x2];
	[bflag:$0x3] =	sbarrier.arrive $0xFFFF;
	s2 =	simm.s32 @!p0 $0x1C02  }
0x71: {  	[timem:s3], [sflag:s2] =	dma.local @!p0 [hbm:s0], s1  }
0x72: {  	s0 =	simm.s32 @!p0 $0x2  }
0x73: {  	_ =	swait.ge @!p0 [sflag:s0], s1  }
0x74: {  	s1 =	ssub.s32 @!p0 $0x0, s1;
	[sflag:s0] =	ssyncset.done @!p0 $0x0  }
0x75: {  	[sflag:s0] =	ssyncadd.s32 @!p0 s1  }
0x76: {  	[bflag:$0x3] =	sbarrier.arrive $0xFFFF  }
0x77: {  	_ =	shalt  }

// kernel: kernel.9.cloned.1.call-start
scs
__scs_entry_jumppad:
0x0: {  	(pc) =	sbr.rel $0x88, $3  }
0x1: {  	(tag) =	ssettag $0x0;
	lr =	simm.s32 $0x1  }
0x2: {  	[smem:$0x3F96] =	sst lr;
	_ =	strace $0xD0000000  }
0x3: {  	_ = 	snop  }
0x4: {  	_ = 	snop  }
0x5: {  	_ = 	snop  }
0x6: {  	_ = 	snop  }
0x7: {  	_ = 	snop  }
__scs_overlays_trampoline_lowered:
0x8: {  	[smem:$0x3FA5] =	sst s0  }
0x9: {  	[smem:$0x3FA6] =	sst s1  }
0xa: {  	[smem:$0x3FA7] =	sst s2  }
0xb: {  	[smem:$0x3FA8] =	sst s3  }
0xc: {  	[smem:$0x3FA9] =	sst s4  }
0xd: {  	[smem:$0x3FAA] =	sst s5  }
0xe: {  	[smem:$0x3FAB] =	sst s6  }
0xf: {  	[smem:$0x3FAC] =	sst s7  }
0x10: {  	[smem:$0x3FAD] =	sst s8  }
0x11: {  	[smem:$0x3FAE] =	sst s9;
	s0 =	simm.s32 @!p0 $0x0  }
0x12: {  	s1 =	sld [smem:$0x3F94];
	s0 =	simm.s32 @p0 $0x1  }
0x13: {  	[smem:$0x3FAF] =	sst s0;
	s0 =	simm.s32 @!p1 $0x0  }
0x14: {  	s2 =	sld [smem:$0x3F93];
	s0 =	simm.s32 @p1 $0x1  }
0x15: {  	[smem:$0x3FB0] =	sst s0;
	s0 =	simm.s32 @!p2 $0x0  }
0x16: {  	s3 =	sld [smem:$0x3FDB];
	s0 =	simm.s32 @p2 $0x1  }
0x17: {  	s4 =	simm.s32 $0x1BF5;
	[smem:$0x3FB2] =	sst s0  }
0x18: {  	s0 =	sld [smem:$0x3F95];
	_ =	swait.ge [sflag:s4], $0x0  }
0x19: {  	s7 =	sld [smem:$0x3F96]  }
0x1a: {  	s8 =	sadd.s32 $0xFFFFE003, lr  }
0x1b: {  	s9 =	sadd.s32 $0xFFFFFEF7, lr;
	s5 =	simm.s32 $0xFFFFFFFF;
	p2 =	slt.u32 s8, $0xFFFFF086  }
0x1c: {  	p1 =	slt.u32 s9, $0xF7A;
	s5 =	simm.s32 @!p2 $0x0  }
0x1d: {  	s5 =	simm.s32 @p1 $0x1;
	p0 =	seq.s32 s7, s2  }
0x1e: {  	s7 =	smul.u32 @!p0 $0xF7A, s2;
	p2 =	seq.s32 @!p0 s5, $0x0  }
0x1f: {  	s9 =	smul.u32 $0xF7A, s1;
	s8 =	simm.s32 @!p0 $0x1BF5;
	p2 =	por !p2, p0  }
0x20: {  	[sflag:s8] =	ssyncset.s32 @!p0 $0xFFFFF086;
	s6 =	sadd.s32 @!p0 s3, s7;
	s7 =	simm.s32 @!p0 $0x108  }
0x21: {  	s3 =	sadd.s32 s3, s9;
	s6 =	sadd.s32 @!p0 $0x88, s6;
	s7 =	simm.s32 @p2 $0x1082  }
0x22: {  	[simem:s7], [sflag:s8] =	dma.local @!p0 [hbm:s6], $0xF7A  }
0x23: {  	s9 =	sor.u32 $0xD0000000, s2;
	s6 =	simm.s32 $0x108;
	_ =	swait.ge @!p0 [sflag:s8], $0x0  }
0x24: {  	s3 =	sadd.s32 $0x88, s3;
	s6 =	simm.s32 @!p1 $0x1082;
	[sflag:s4] =	ssyncset.s32 $0xFFFFF086  }
0x25: {  	[simem:s6], [sflag:s4] =	dma.local [hbm:s3], $0xF7A  }
0x26: {  	[smem:$0x3F96] =	sst s1;
	(tag) =	ssettag s2;
	_ =	strace s9  }
0x27: {  	s1 =	sld [smem:$0x3FA6]  }
0x28: {  	s2 =	sld [smem:$0x3FA7]  }
0x29: {  	s4 =	sld [smem:$0x3FA9]  }
0x2a: {  	p0 =	seq.s32 s5, $0x0;
	s5 =	sld [smem:$0x3FAA]  }
0x2b: {  	s6 =	sld [smem:$0x3FAB]  }
0x2c: {  	s7 =	sld [smem:$0x3FAC]  }
0x2d: {  	s3 =	simm.s32 $0x108;
	s8 =	sld [smem:$0x3FAD]  }
0x2e: {  	s3 =	simm.s32 @!p0 $0x1082;
	s9 =	sld [smem:$0x3FAE]  }
0x2f: {  	lr =	sadd.s32 s0, s3;
	s0 =	sld [smem:$0x3FA5]  }
0x30: {  	s3 =	sld [smem:$0x3FA8]  }
0x31: {  	[smem:$0x3FB1] =	sst s10  }
0x32: {  	s10 =	sld [smem:$0x3FAF];
	_ =	sdelay $0x3  }
0x33: {  	p0 =	seq.s32 s10, $0x1;
	s10 =	sld [smem:$0x3FB1];
	_ =	sdelay $0x3  }
0x34: {  	[smem:$0x3FB1] =	sst s10  }
0x35: {  	s10 =	sld [smem:$0x3FB0];
	_ =	sdelay $0x3  }
0x36: {  	p1 =	seq.s32 s10, $0x1;
	s10 =	sld [smem:$0x3FB1];
	_ =	sdelay $0x3  }
0x37: {  	[smem:$0x3FB1] =	sst s10  }
0x38: {  	s10 =	sld [smem:$0x3FB2]  }
0x39: {  	_ = 	snop;
	(pc) =	sbr.ind lr, $3  }
0x3a: {  	_ = 	snop  }
0x3b: {  	_ = 	snop  }
0x3c: {  	p2 =	seq.s32 s10, $0x1;
	s10 =	sld [smem:$0x3FB1]  }
0x3d: {  	_ =	shalt  }
0x3e: {  	_ =	shalt  }
0x3f: {  	_ =	shalt  }
0x40: {  	_ =	shalt  }
0x41: {  	_ =	shalt  }
0x42: {  	_ =	shalt  }
0x43: {  	_ =	shalt  }
0x44: {  	_ =	shalt  }
0x45: {  	_ =	shalt  }
0x46: {  	_ =	shalt  }
0x47: {  	_ =	shalt  }
0x48: {  	_ =	shalt  }
0x49: {  	_ =	shalt  }
0x4a: {  	_ =	shalt  }
0x4b: {  	_ =	shalt  }
0x4c: {  	_ =	shalt  }
0x4d: {  	_ =	shalt  }
0x4e: {  	_ =	shalt  }
0x4f: {  	_ =	shalt  }
0x50: {  	_ =	shalt  }
0x51: {  	_ =	shalt  }
0x52: {  	_ =	shalt  }
0x53: {  	_ =	shalt  }
0x54: {  	_ =	shalt  }
0x55: {  	_ =	shalt  }
0x56: {  	_ =	shalt  }
0x57: {  	_ =	shalt  }
0x58: {  	_ =	shalt  }
0x59: {  	_ =	shalt  }
0x5a: {  	_ =	shalt  }
0x5b: {  	_ =	shalt  }
0x5c: {  	_ =	shalt  }
0x5d: {  	_ =	shalt  }
0x5e: {  	_ =	shalt  }
0x5f: {  	_ =	shalt  }
0x60: {  	_ =	shalt  }
0x61: {  	_ =	shalt  }
0x62: {  	_ =	shalt  }
0x63: {  	_ =	shalt  }
0x64: {  	_ =	shalt  }
0x65: {  	_ =	shalt  }
0x66: {  	_ =	shalt  }
0x67: {  	_ =	shalt  }
0x68: {  	_ =	shalt  }
0x69: {  	_ =	shalt  }
0x6a: {  	_ =	shalt  }
0x6b: {  	_ =	shalt  }
0x6c: {  	_ =	shalt  }
0x6d: {  	_ =	shalt  }
0x6e: {  	_ =	shalt  }
0x6f: {  	_ =	shalt  }
0x70: {  	_ =	shalt  }
0x71: {  	_ =	shalt  }
0x72: {  	_ =	shalt  }
0x73: {  	_ =	shalt  }
0x74: {  	_ =	shalt  }
0x75: {  	_ =	shalt  }
0x76: {  	_ =	shalt  }
0x77: {  	_ =	shalt  }
0x78: {  	_ =	shalt  }
0x79: {  	_ =	shalt  }
0x7a: {  	_ =	shalt  }
0x7b: {  	_ =	shalt  }
0x7c: {  	_ =	shalt  }
0x7d: {  	_ =	shalt  }
0x7e: {  	_ =	shalt  }
0x7f: {  	_ =	shalt  }
0x80: {  	_ =	shalt  }
0x81: {  	_ =	shalt  }
0x82: {  	_ =	shalt  }
0x83: {  	_ =	shalt  }
0x84: {  	_ =	shalt  }
0x85: {  	_ =	shalt  }
0x86: {  	_ =	shalt  }
0x87: {  	_ =	shalt  }
.Lfunc_end0:
.L_simem_size_0:
called_computation_lowered:
.L_overlay_start_0:
0x88: {  	s2 =	sld [smem:$0x3FD9]  }
0x89: {  	s3 =	sld [smem:$0x3FFE];
	_ =	sdelay $0x1  }
0x8a: {  	s1 =	srdreg.scid  }
0x8b: {  	s0 =	sand.u32 $0x1, s1  }
0x8c: {  	s16 =	sshll.u32 s0, $0xA;
	s2 =	sadd.s32 s3, s2  }
0x8d: {  	s2 =	sadd.s32 s2, s16  }
0x8e: {  	[smem:$0x3FBD] =	sst s2  }
0x8f: {  	_ = 	snop  }
0x90: {  	(tm) =	ssettm $0x1  }
0x91: {  	s17 =	sld [smem:$0x3FFB];
	_ =	sdelay $0x3  }
0x92: {  	_ =	strace s17  }
0x93: {  	s2 =	sld [smem:$0x3FFC];
	_ =	sdelay $0x3  }
0x94: {  	_ =	strace s2  }
0x95: {  	s2 =	sld [smem:$0x3FFD];
	_ =	sdelay $0x3  }
0x96: {  	_ =	strace s2  }
0x97: {  	_ =	strace $0x8FFFFFFF  }
0x98: {  	s18 =	sld [smem:$0x3FDB];
	_ =	sdelay $0x1  }
0x99: {  	s19 =	simm.s32 $_scs_section_size  }
0x9a: {  	s4 =	simm.s32 $_size__tile_overlayer_lowered;
	s5 =	simm.s32 $_tile_overlayer_lowered  }
0x9b: {  	s22 =	simm.s32 $0x1BFF;
	s21 =	sshll.u32 s5, $0x1;
	s2 =	sadd.s32 s19, s18  }
0x9c: {  	s6 =	simm.s32 $0x0;
	s20 =	sshll.u32 s4, $0x1;
	s4 =	sadd.s32 s21, s2  }
0x9d: {  	[timem:s6], [sflag:s22] =	dma.local [hbm:s4], s20  }
0x9e: {  	_ =	swait.ge [sflag:s22], s20  }
0x9f: {  	s3 =	ssub.s32 $0x0, s20;
	[sflag:s22] =	ssyncset.done $0x0  }
0xa0: {  	[sflag:s22] =	ssyncadd.s32 s3;
	_ =	sdelay $0x1  }
0xa1: {  	s23 =	simm.s32 $0x1B8B  }
0xa2: {  	_ =	swait.ge [sflag:s23], $0x1  }
0xa3: {  	[sflag:s23] =	ssyncset.done $0x0  }
0xa4: {  	s25 =	simm.s32 $0x1B8E;
	s24 =	sld [smem:$0x3FFE];
	[sflag:s23] =	ssyncadd.s32 $0xFFFFFFFF  }
0xa5: {  	s26 =	simm.s32 $execute0_lowered;
	[smem:$0x3FD2] =	sst s25  }
0xa6: {  	s4 =	sshll.u32 s26, $0x1;
	_ =	strace $0x80000046;
	[dreg:$0x1] =	wrdreg $0xFFFFFFFF  }
0xa7: {  	s28 =	simm.s32 $_size_execute0_lowered;
	s2 =	sadd.s32 s2, s4;
	[dreg:$0x0] =	wrdreg $0x0  }
0xa8: {  	s4 =	sshll.u32 s28, $0x1;
	[dreg:$0x2] =	wrdreg s2  }
0xa9: {  	[dreg:$0x3] =	wrdreg s4  }
0xaa: {  	[dreg:$0x4] =	wrdreg $0xC0  }
0xab: {  	_ =	task [dreg:s6], $0x5FFFF  }
0xac: {  	[dreg:$0x1] =	wrdreg $0xFFFFFFFF  }
0xad: {  	[dreg:$0x0] =	wrdreg $0x60  }
0xae: {  	[dreg:$0x2] =	wrdreg s24  }
0xaf: {  	[dreg:$0x3] =	wrdreg $0x0  }
0xb0: {  	[dreg:$0x4] =	wrdreg $0x9  }
0xb1: {  	_ =	task.clear_ibuf [dreg:s6], $0x5FFFF;
	_ =	strace $0x90000046  }
0xb2: {  	s29 =	simm.s32 $0x9;
	_ =	strace $0x80000048  }
0xb3: {  	_ =	swait.ge [sflag:s29], $0x1  }
0xb4: {  	[sflag:s29] =	ssyncadd.s32 $0xFFFFFFFF  }
0xb5: {  	_ =	strace $0x90000048  }
0xb6: {  	_ =	sfence  }
0xb7: {  	s30 =	sld [smem:$0x0];
	_ =	sdelay $0x2  }
0xb8: {  	s31 =	sshll.u32 s1, $0xD;
	s1 =	sshrl.u32 s1, $0x2  }
0xb9: {  	s3 =	sand.u32 $0x4000, s31;
	s1 =	sadd.s32 s1, s30  }
0xba: {  	s0 =	sor.u32 s3, s0;
	s1 =	sshll.u32 s1, $0x11  }
0xbb: {  	s0 =	sor.u32 s1, s0  }
0xbc: {  	s0 =	sadd.s32 $0x8F2B, s0  }
0xbd: {  	[sflag:s0] =	ssyncadd.remote.s32 $0x1  }
0xbe: {  	_ =	sfence.sel $0xFFFF  }
0xbf: {  	[dreg:$0x0] =	wrdreg $0xFFFFFFFF;
	(pc) =	sbr.abs _section_cstart, $3  }
0xc0: {  	[dreg:$0x1] =	wrdreg $0xFFFFFFFF  }
0xc1: {  	_ =	task.clear_ibuf [dreg:s6], $0x2FFFF;
	_ =	strace $0x9FFFFFFF  }
0xc2: {  	(tm) =	ssettm $0x7FFFFFFF  }
0xc3: {  	_ =	shalt  }
tec
execute0_lowered:
.L_overlay_start_1:
0x0: {  	(tag) =	ssettag $0x1  }
0x1: {  	s4 =	rddreg [dreg:$0x0];
	s1 =	srdreg.scid  }
0x2: {  	s0 =	stileid.u32;
	s2 =	rddreg [dreg:$0x1]  }
0x3: {  	s3 =	simm.s32 $0x0;
	s20 =	simm.s32 $0x4;
	s21 =	simm.s32 $0x2  }
0x4: {  	s6 =	sand.u32 $0x1, s1;
	s1 =	rddreg [dreg:$0x2];
	s7 =	smul.u32 $0xA000, s0  }
0x5: {  	s5 =	sshll.u32 s0, $0x1;
	[smem:$0x7FF] =	sst s3;
	s24 =	smul.u32 $0xA00, s0  }
0x6: {  	s16 =	smul.u32 $0x280, s0;
	s5 =	sor.u32 s6, s5;
	_ =	strace $0x80000047  }
0x7: {  	s8 =	sshll.u32 s6, $0x1;
	s9 =	ssub.s32 $0x2, s6;
	p0 =	seq.s32 s6, $0x0  }
0x8: {  	s6 =	simm.s32 $0x5A;
	s5 =	smul.u32 $0x5A0, s5;
	s8 =	sadd.s32 s8, s4  }
0x9: {  	s23 =	sshrl.u32 s9, $0x1;
	s7 =	sshrl.u32 s7, $0x2;
	s6 =	simm.s32 @!p0 $0x44  }
0xa: {  	s13 =	sadd.s32 $0x80, s16;
	s25 =	sadd.s32 $0x100, s16;
	s19 =	sadd.s32 $0x180, s16  }
0xb: {  	s16 =	sadd.s32 $0x200, s16;
	s9 =	ssub.s32 s9, s23;
	s17 =	sadd.s32 $0xD200, s8  }
0xc: {  	s14 =	sshll.u32 s13, $0x2;
	s15 =	sshll.u32 s13, $0x4;
	s26 =	sshll.u32 s25, $0x2  }
0xd: {  	s18 =	sshll.u32 s25, $0x4;
	s28 =	sshll.u32 s19, $0x2;
	s29 =	sshll.u32 s19, $0x4  }
0xe: {  	s30 =	sshll.u32 s16, $0x2;
	s31 =	sshll.u32 s16, $0x4;
	s19 =	simm.s32 $0x80  }
0xf: {  	s5 =	sadd.s32 s5, s4;
	s4 =	sadd.s32 s7, s2;
	s7 =	sadd.s32 s24, s17  }
0x10: {  	s8 =	smax.u32 s9, $0x1;
	s13 =	sadd.s32 s14, s17;
	s22 =	sadd.s32 s15, s2  }
0x11: {  	s14 =	sadd.s32 s26, s17;
	s23 =	sadd.s32 s18, s2;
	s15 =	sadd.s32 s28, s17  }
0x12: {  	s24 =	sadd.s32 s29, s2;
	s16 =	sadd.s32 s30, s17;
	s25 =	sadd.s32 s31, s2  }
0x13: {  	s17 =	simm.s32 $0x5500;
	s18 =	simm.s32 $0x1;
	s26 =	simm.s32 $0x0  }
0x14: {  	s5 =	sadd.s32 $0x1E00, s5;
	s9 =	sadd.s32 $0x800, s4;
	s10 =	sadd.s32 $0x1000, s4  }
0x15: {  	s11 =	sadd.s32 $0x1800, s4;
	s12 =	sadd.s32 $0x2000, s4;
	s22 =	sshrl.u32 s22, $0x3  }
0x16: {  	v0 =	vimm.f32 $0.0e+00;
	v1 =	vimm.f32 $1.000000000e+00;
	s23 =	sshrl.u32 s23, $0x3;
	s24 =	sshrl.u32 s24, $0x3;
	s25 =	sshrl.u32 s25, $0x3  }
.LBB2_1:
0x17: {  	s28 =	simm.s32 $0x40;
	s29 =	simm.s32 $0x0  }
.LBB2_2:
0x18: {  	p0 =	sne.s32 s28, $0x1FC0;
	[tilespmem:s29+$0x5500] =	vst v0;
	s29 =	smov.u32 s28;
	s28 =	sadd.s32 $0x40, s28  }
.Ltmp0:
0x19: {  	(pc) =	sbr.rel @p0 .LBB2_2-.Ltmp0, $2  }
0x1a: {  	_ =	sdelay $0x2  }
0x1b: {  	s29 =	sshra.s32 s29, $0x2  }
0x1c: {  	[tilespmem:s29+$0x5500] =	vst v0  }
0x1d: {  	[spmem:s4] =	stream.linear.scatter [tilespmem:s17], [sflag:$0x1], $0x800, $0x38;
	[tilespmem:$0x5D00] =	vst v63  }
0x1e: {  	_ =	swait.ge [sflag:s18], $0x800  }
0x1f: {  	[sflag:s18] =	ssyncset.done $0x0  }
0x20: {  	[sflag:s18] =	ssyncadd.s32 $0xFFFFF800  }
0x21: {  	[spmem:s9] =	stream.linear.scatter [tilespmem:s17], [sflag:$0x1], $0x800, $0x38;
	[tilespmem:$0x5D00] =	vst v63  }
0x22: {  	_ =	swait.ge [sflag:s18], $0x800  }
0x23: {  	[sflag:s18] =	ssyncset.done $0x0  }
0x24: {  	[sflag:s18] =	ssyncadd.s32 $0xFFFFF800  }
0x25: {  	[spmem:s10] =	stream.linear.scatter [tilespmem:s17], [sflag:$0x1], $0x800, $0x38;
	[tilespmem:$0x5D00] =	vst v63  }
0x26: {  	_ =	swait.ge [sflag:s18], $0x800  }
0x27: {  	[sflag:s18] =	ssyncset.done $0x0  }
0x28: {  	[sflag:s18] =	ssyncadd.s32 $0xFFFFF800  }
0x29: {  	[spmem:s11] =	stream.linear.scatter [tilespmem:s17], [sflag:$0x1], $0x800, $0x38;
	[tilespmem:$0x5D00] =	vst v63  }
0x2a: {  	_ =	swait.ge [sflag:s18], $0x800  }
0x2b: {  	[sflag:s18] =	ssyncset.done $0x0  }
0x2c: {  	[sflag:s18] =	ssyncadd.s32 $0xFFFFF800  }
0x2d: {  	[spmem:s12] =	stream.linear.scatter [tilespmem:s17], [sflag:$0x1], $0x800, $0x38;
	[tilespmem:$0x5D00] =	vst v63  }
0x2e: {  	_ =	swait.ge [sflag:s18], $0x800  }
0x2f: {  	[sflag:s18] =	ssyncset.done $0x0  }
0x30: {  	s28 =	simm.s32 $0x40;
	s29 =	simm.s32 $0x0;
	[sflag:s18] =	ssyncadd.s32 $0xFFFFF800  }
.LBB2_4:
0x31: {  	p0 =	sne.s32 s28, $0x1FC0;
	[tilespmem:s29+$0x5500] =	vst v1;
	s29 =	smov.u32 s28;
	s28 =	sadd.s32 $0x40, s28  }
.Ltmp1:
0x32: {  	(pc) =	sbr.rel @p0 .LBB2_4-.Ltmp1, $2  }
0x33: {  	_ =	sdelay $0x2  }
0x34: {  	s29 =	sshra.s32 s29, $0x2  }
0x35: {  	[tilespmem:s29+$0x5500] =	vst v1;
	s28 =	simm.s32 $0x2800  }
0x36: {  	[tilespmem:s28], [sflag:$0x1] =	stream.linear.gather [hbm4b:s5+s3], $0x2D00, $0x38;
	[tilespmem:$0x5D00] =	vst v63  }
0x37: {  	_ =	swait.ge [sflag:s18], $0x2D00  }
0x38: {  	p0 =	sne.s32 s6, $0x1;
	[sflag:s18] =	ssyncset.done $0x0  }
.Ltmp2:
0x39: {  	[sflag:s18] =	ssyncadd.s32 $0xFFFFD300;
	(pc) =	sbr.rel @!p0 .LBB2_7-.Ltmp2, $4  }
0x3a: {  	[bflag:$0x0] =	sbarrier.arrive $0xFFFF  }
0x3b: {  	[spmem:s2] =	stream.indirect.scatter.add.f32 [tilespmem:s17], [sflag:$0x1], $0x10, s28, s19, $0xb8;
	[tilespmem:$0x5D00] =	vst v63  }
0x3c: {  	_ =	swait.ge [sflag:s18], $0x800  }
0x3d: {  	s29 =	sadd.s32 $0xFFFFFFFF, s6;
	[sflag:s18] =	ssyncset.done $0x0  }
.LBB2_6:
0x3e: {  	p0 =	sne.s32 s29, $0x1;
	[sflag:s18] =	ssyncadd.s32 $0xFFFFF800;
	s28 =	sadd.s32 $0x80, s28  }
.Ltmp3:
0x3f: {  	s29 =	sadd.s32 $0xFFFFFFFF, s29;
	(pc) =	sbr.rel @p0 .LBB2_6-.Ltmp3, $4  }
0x40: {  	_ = 	snop  }
0x41: {  	[spmem:s2] =	stream.indirect.scatter.add.f32 [tilespmem:s17], [sflag:$0x1], $0x10, s28, s19, $0xb8;
	[tilespmem:$0x5D00] =	vst v63  }
0x42: {  	_ =	swait.ge [sflag:s18], $0x800  }
0x43: {  	[sflag:s18] =	ssyncset.done $0x0  }
.LBB2_7:
0x44: {  	[sflag:s18] =	ssyncadd.s32 $0xFFFFF800;
	s28 =	sshll.u32 s0, $0x6  }
0x45: {  	s29 =	sshrl.u32 s4, $0x3;
	[bflag:$0x0] =	sbarrier.arrive $0xFFFF;
	s28 =	sor.u32 $0x1C01, s28  }
0x46: {  	[hbm:s7@s20], [sflag:s28] =	dma.strided [spmem:s29@s21], $0x100, s18, $0x2   }
0x47: {  	_ =	swait.ge [sflag:s18], $0x100  }
0x48: {  	[sflag:s18] =	ssyncset.done $0x0  }
0x49: {  	[sflag:s18] =	ssyncadd.s32 $0xFFFFFF00  }
0x4a: {  	[hbm:s13@s20], [sflag:s28] =	dma.strided [spmem:s22@s21], $0x100, s18, $0x2   }
0x4b: {  	_ =	swait.ge [sflag:s18], $0x100  }
0x4c: {  	[sflag:s18] =	ssyncset.done $0x0  }
0x4d: {  	[sflag:s18] =	ssyncadd.s32 $0xFFFFFF00  }
0x4e: {  	[hbm:s14@s20], [sflag:s28] =	dma.strided [spmem:s23@s21], $0x100, s18, $0x2   }
0x4f: {  	_ =	swait.ge [sflag:s18], $0x100  }
0x50: {  	[sflag:s18] =	ssyncset.done $0x0  }
0x51: {  	[sflag:s18] =	ssyncadd.s32 $0xFFFFFF00  }
0x52: {  	[hbm:s15@s20], [sflag:s28] =	dma.strided [spmem:s24@s21], $0x100, s18, $0x2   }
0x53: {  	s26 =	sadd.s32 $0x1, s26;
	_ =	swait.ge [sflag:s18], $0x100  }
0x54: {  	p0 =	sne.s32 s26, s8;
	[sflag:s18] =	ssyncset.done $0x0  }
.Ltmp4:
0x55: {  	[sflag:s18] =	ssyncadd.s32 $0xFFFFFF00;
	(pc) =	sbr.rel @p0 .LBB2_1-.Ltmp4, $4  }
0x56: {  	[hbm:s16@s20], [sflag:s28] =	dma.strided [spmem:s25@s21], $0x100, s18, $0x2   }
0x57: {  	_ =	swait.ge [sflag:s18], $0x100  }
0x58: {  	[sflag:s18] =	ssyncset.done $0x0  }
0x59: {  	[sflag:s18] =	ssyncadd.s32 $0xFFFFFF00  }
0x5a: {  	_ =	sfence.sel $0x180000  }
0x5b: {  	[bflag:$0x0] =	sbarrier.arrive $0xFFFF  }
0x5c: {  	p0 =	sne.s32 s0, $0x0;
	_ =	strace $0x90000047  }
0x5d: {  	s0 =	sadd.s32 @!p0 $0x100000, s1;
	[bflag:$0x2] =	sbarrier.arrive $0xFFFF  }
0x5e: {  	[sflag:s0] =	ssyncadd.tile.s32 @!p0 $0x1;
	_ =	shalt  }
.Lfunc_end2:
_tile_overlayer_lowered:
.L_overlay_start_2:
0x5f: {  	(tag) =	ssettag $0x2  }
0x60: {  	s0 =	rddreg [dreg:$0x0];
	s2 =	stileid.u32  }
0x61: {  	s1 =	rddreg [dreg:$0x1];
	p0 =	sne.s32 s2, $0x0  }
0x62: {  	s3 =	rddreg [dreg:$0x2];
	[bflag:$0x3] =	sbarrier.arrive $0xFFFF;
	s2 =	simm.s32 @!p0 $0x1C01  }
0x63: {  	[timem:s3], [sflag:s2] =	dma.local @!p0 [hbm:s0], s1  }
0x64: {  	s0 =	simm.s32 @!p0 $0x1  }
0x65: {  	_ =	swait.ge @!p0 [sflag:s0], s1  }
0x66: {  	s1 =	ssub.s32 @!p0 $0x0, s1;
	[sflag:s0] =	ssyncset.done @!p0 $0x0  }
0x67: {  	[sflag:s0] =	ssyncadd.s32 @!p0 s1  }
0x68: {  	[bflag:$0x3] =	sbarrier.arrive $0xFFFF  }
0x69: {  	_ =	shalt  }

</sc_bundles>
